<compile_context>
chip_gen: v7x
topology: tpu7x:2x2x1
jax: 0.10.2.dev20260603
libtpu: 0.0.44.dev20260713+nightly
codegen_flags: <defaults>
</compile_context>

<pallas_src>
import functools

import jax
import jax.numpy as jnp
from jax import lax
from jax.experimental import pallas as pl
from jax.experimental.pallas import tpu as pltpu
from jax.experimental.pallas import tpu_sc as plsc

KNN_K = 27
_BIG = 1e30


def _embed_body(x_ref, we_ref, w1_ref, b1_ref, vw_ref, vb_ref, o_ref):
    h0 = jnp.dot(x_ref[...], we_ref[...], preferred_element_type=jnp.float32)
    t = jnp.tanh(jnp.dot(h0, w1_ref[...], preferred_element_type=jnp.float32)
                 + b1_ref[...])
    s0 = jnp.dot(t, vw_ref[...], preferred_element_type=jnp.float32) + vb_ref[...]
    n = h0.shape[0]
    o_ref[...] = jnp.concatenate(
        [h0, s0, jnp.zeros((n, 111), jnp.float32)], axis=1)


def _embed(x, W_embed, W1, b1, Vw, Vb):
    n = x.shape[0]
    return pl.pallas_call(
        _embed_body,
        out_shape=jax.ShapeDtypeStruct((n, 128), jnp.float32),
    )(x, W_embed, W1, b1.reshape(1, -1), Vw, Vb.reshape(1, 1))


def _sc_gather_rows(table, idx_flat):
    nidx = idx_flat.shape[0]
    n_chunk = -(-nidx // 4096)
    bpad = n_chunk * 4096
    idx2 = jnp.concatenate(
        [idx_flat, jnp.zeros((bpad - nidx,), jnp.int32)]).reshape(32, n_chunk, 128)

    mesh = plsc.VectorSubcoreMesh(core_axis_name="c", subcore_axis_name="s")

    @functools.partial(
        pl.kernel, mesh=mesh,
        out_type=jax.ShapeDtypeStruct((bpad, 128), jnp.float32),
        scratch_types=[
            pltpu.VMEM((n_chunk, 128), jnp.int32),
            pltpu.VMEM((4, 128, 128), jnp.float32),
            pltpu.SemaphoreType.DMA,
            pltpu.SemaphoreType.DMA,
        ],
    )
    def gk(table_hbm, idx_hbm, out_hbm, idx_all, rows_v, s_g, s_o):
        wid = lax.axis_index("s") * 2 + lax.axis_index("c")
        base = wid * n_chunk

        pltpu.sync_copy(idx_hbm.at[wid], idx_all)
        for b in range(3):
            pltpu.async_copy(table_hbm.at[idx_all.at[b]], rows_v.at[b], s_g)

        def body(c, carry):
            cur = lax.rem(c, 4)

            @pl.when(c + 3 < n_chunk)
            def _():
                @pl.when(c >= 1)
                def _():
                    pltpu.make_async_copy(
                        rows_v.at[lax.rem(c + 3, 4)],
                        out_hbm.at[pl.ds((base + c - 1) * 128, 128)],
                        s_o).wait()
                pltpu.async_copy(
                    table_hbm.at[idx_all.at[c + 3]],
                    rows_v.at[lax.rem(c + 3, 4)], s_g)

            pltpu.make_async_copy(
                table_hbm.at[idx_all.at[c]], rows_v.at[cur], s_g).wait()
            pltpu.async_copy(
                rows_v.at[cur], out_hbm.at[pl.ds((base + c) * 128, 128)], s_o)
            return carry

        lax.fori_loop(0, n_chunk, body, 0)
        for t in range(4):
            c = n_chunk - 4 + t
            pltpu.make_async_copy(
                rows_v.at[lax.rem(c, 4)],
                out_hbm.at[pl.ds((base + c) * 128, 128)], s_o).wait()

    return gk(table, idx2)


def _pool_body(*refs):
    g = refs[:-8]
    wq_ref, bq_ref, wk_ref, bk_ref, wv_ref, bv_ref, hq_ref, kv_ref = refs[-8:]
    gv = [r[...] for r in g]
    s = [gj[:, 16:17] for gj in gv]
    m = s[0]
    for sj in s[1:]:
        m = jnp.maximum(m, sj)
    e = [jnp.exp(sj - m) for sj in s]
    z = e[0]
    for ej in e[1:]:
        z = z + ej
    acc = e[0] * gv[0][:, 0:16]
    for ej, gj in zip(e[1:], gv[1:]):
        acc = acc + ej * gj[:, 0:16]
    h1 = acc / z
    q = jnp.dot(h1, wq_ref[...], preferred_element_type=jnp.float32) + bq_ref[...]
    k = jnp.dot(h1, wk_ref[...], preferred_element_type=jnp.float32) + bk_ref[...]
    v = jnp.dot(h1, wv_ref[...], preferred_element_type=jnp.float32) + bv_ref[...]
    pb = h1.shape[0]
    hq_ref[...] = jnp.concatenate([h1, q], axis=1)
    kv_ref[...] = jnp.concatenate(
        [k, v, jnp.zeros((pb, 96), jnp.float32)], axis=1)


def _pool_proj(g, kp, n, Wq, bq, Wk, bk, Wv, bv, pb):
    nb = n // pb
    wspec = pl.BlockSpec((16, 16), lambda i: (0, 0))
    bspec = pl.BlockSpec((1, 16), lambda i: (0, 0))
    gspecs = [pl.BlockSpec((pb, 128), functools.partial(
        lambda i, j: (j * nb + i, 0), j=j)) for j in range(kp)]
    return pl.pallas_call(
        _pool_body,
        grid=(nb,),
        in_specs=gspecs + [wspec, bspec, wspec, bspec, wspec, bspec],
        out_specs=[
            pl.BlockSpec((pb, 32), lambda i: (i, 0)),
            pl.BlockSpec((pb, 128), lambda i: (i, 0)),
        ],
        out_shape=[
            jax.ShapeDtypeStruct((n, 32), jnp.float32),
            jax.ShapeDtypeStruct((n, 128), jnp.float32),
        ],
    )(*([g] * kp), Wq, bq.reshape(1, -1), Wk, bk.reshape(1, -1),
      Wv, bv.reshape(1, -1))


def _topk_body(q_ref, xvt_ref, o_ref, *, k, npad, rounds):
    qb = q_ref[...]
    xvt = xvt_ref[...]
    qn = qb.shape[0]
    sq = jnp.sum(xvt * xvt, axis=0, keepdims=True)
    qsq = jnp.sum(qb * qb, axis=1, keepdims=True)
    d2 = qsq - 2.0 * jnp.dot(qb, xvt, preferred_element_type=jnp.float32) + sq
    nc = npad // 128
    d2r = d2.reshape(qn, nc, 128)
    ig = (lax.broadcasted_iota(jnp.int32, (1, nc, 128), 1) * 128
          + lax.broadcasted_iota(jnp.int32, (1, nc, 128), 2)).astype(jnp.float32)
    vals, idxs = [], []
    for _ in range(rounds):
        mc = jnp.min(d2r, axis=1, keepdims=True)
        cand = jnp.where(d2r == mc, ig, _BIG)
        ic = jnp.min(cand, axis=1, keepdims=True)
        vals.append(mc.reshape(qn, 128))
        idxs.append(ic.reshape(qn, 128))
        d2r = jnp.where(ig == ic, _BIG, d2r)
    v = jnp.concatenate(vals, axis=1)
    iv = jnp.concatenate(idxs, axis=1)
    cols = []
    for _ in range(k):
        m = jnp.min(v, axis=1, keepdims=True)
        cand = jnp.where(v == m, iv, _BIG)
        idxf = jnp.min(cand, axis=1, keepdims=True)
        cols.append(idxf)
        v = jnp.where(iv == idxf, _BIG, v)
    cols.append(jnp.zeros((qn, 32 - k), jnp.float32))
    o_ref[...] = jnp.concatenate(cols, axis=1).astype(jnp.int32)


def _knn_topk(xvp, xvt, qb, npad):
    grid = npad // qb
    return pl.pallas_call(
        functools.partial(_topk_body, k=KNN_K, npad=npad, rounds=4),
        grid=(grid,),
        in_specs=[
            pl.BlockSpec((qb, 3), lambda i: (i, 0)),
            pl.BlockSpec((3, npad), lambda i: (0, 0)),
        ],
        out_specs=pl.BlockSpec((qb, 32), lambda i: (i, 0)),
        out_shape=jax.ShapeDtypeStruct((npad, 32), jnp.int32),
    )(xvp, xvt)


def _mha_body(*refs):
    kv = [r[...] for r in refs[:KNN_K]]
    hq_ref, wo_ref, bo_ref, wout_ref, o_ref = refs[KNN_K:]
    hq = hq_ref[...]
    q = hq[:, 16:32]
    s = [q * kvj[:, 0:16] for kvj in kv]
    m = s[0]
    for sj in s[1:]:
        m = jnp.maximum(m, sj)
    e = [jnp.exp(sj - m) for sj in s]
    z = e[0]
    for ej in e[1:]:
        z = z + ej
    acc = e[0] * kv[0][:, 16:32]
    for ej, kvj in zip(e[1:], kv[1:]):
        acc = acc + ej * kvj[:, 16:32]
    o = acc / z
    res = hq[:, 0:16] + jnp.dot(o, wo_ref[...],
                                preferred_element_type=jnp.float32) + bo_ref[...]
    o_ref[...] = jnp.dot(res, wout_ref[...], preferred_element_type=jnp.float32)


def _mha_out(kvg, hq, Wo, bo, Wout, pb):
    n = hq.shape[0]
    nb = n // pb
    kvspecs = [pl.BlockSpec((pb, 128), functools.partial(
        lambda i, j: (j * nb + i, 0), j=j)) for j in range(KNN_K)]
    return pl.pallas_call(
        _mha_body,
        grid=(nb,),
        in_specs=kvspecs + [
            pl.BlockSpec((pb, 32), lambda i: (i, 0)),
            pl.BlockSpec((16, 16), lambda i: (0, 0)),
            pl.BlockSpec((1, 16), lambda i: (0, 0)),
            pl.BlockSpec((16, 1), lambda i: (0, 0)),
        ],
        out_specs=pl.BlockSpec((pb, 1), lambda i: (i, 0)),
        out_shape=jax.ShapeDtypeStruct((n, 1), jnp.float32),
    )(*([kvg] * KNN_K), hq, Wo, bo.reshape(1, -1), Wout)


def kernel(x, x_v, unpooling_idx, W_embed, W1, b1, Vw, Vb,
           Wq, bq, Wk, bk, Wv, bv, Wo, bo, Wout):
    n_in = x.shape[1]
    n_out = x_v.shape[1]
    kp = unpooling_idx.shape[2]

    x2 = x.reshape(n_in, 3)
    xv2 = x_v.reshape(n_out, 3)

    h0s = _embed(x2, W_embed, W1, b1, Vw, Vb)

    uidx = jnp.transpose(unpooling_idx.reshape(n_out, kp)).reshape(
        n_out * kp).astype(jnp.int32)
    g = _sc_gather_rows(h0s, uidx)

    pb = 400 if n_out % 400 == 0 else n_out
    hq, kv = _pool_proj(g, kp, n_out, Wq, bq, Wk, bk, Wv, bv, pb)

    qb = 256
    npad = -(-n_out // 512) * 512
    pad = jnp.full((npad - n_out, 3), 1e4, jnp.float32)
    xvp = jnp.concatenate([xv2, pad], axis=0)
    xvt = xvp.T
    knn = _knn_topk(xvp, xvt, qb, npad)
    kidx = jnp.transpose(knn[:n_out, :KNN_K]).reshape(
        KNN_K * n_out)

    kvg = _sc_gather_rows(kv, kidx)

    out = _mha_out(kvg, hq, Wo, bo, Wout, pb)
    return out.reshape(1, n_out, 1)

# --- scband reference (transcript-rebuilt; emitter-appended) ---
"""Pipeline reference for scband-mhaidx-decoder-7138235646309 (READ-ONLY COPY).

The authoritative reference and input builder live on the scoring server;
editing this copy changes nothing except your own understanding.
"""

import jax, jax.numpy as jnp
import numpy as np

KNN_K = 27
NUM_HEADS = 16

def _gather(x, idx):
    # x: [B, N, C], idx: [B, M, K] -> [B, M, K, C]
    return jax.vmap(lambda xb, ib: xb[ib])(x, idx)

def _knn_idx(xv, K, chunk=1000):
    # brute-force knn of xv against itself, chunked over queries to bound memory
    B, N, D = xv.shape
    sq = jnp.sum(xv * xv, axis=-1)  # [B, N]
    parts = []
    for s in range(0, N, chunk):
        q = xv[:, s:s + chunk]  # [B, c, D]
        d2 = jnp.sum(q * q, axis=-1)[..., None] - 2.0 * jnp.einsum('bcd,bnd->bcn', q, xv) + sq[:, None, :]
        _, idx = jax.lax.top_k(-d2, K)  # sorted by distance (return_sorted=True)
        parts.append(idx)
    return jnp.concatenate(parts, axis=1)  # [B, N, K]

def _attention_pool_idx(x, idx, W1, b1, Vw, Vb):
    # AttentionPooling_Idx: gather neighbors by idx, score with tanh MLP, softmax-pool over K
    g = _gather(x, idx)  # [B, M, Kp, C]
    score = jnp.tanh(g @ W1 + b1) @ Vw + Vb  # [B, M, Kp, 1]
    attn = jax.nn.softmax(score, axis=2)
    out = jnp.sum(attn * g, axis=2)  # [B, M, C]
    return out, score

def _mha_knn_v(x, knn, Wq, bq, Wk, bk, Wv, bv, Wo, bo, H):
    # MHA_KNN_V: per-point multi-head attention over K nearest neighbors (knn from x_v)
    B, N, C = x.shape
    K = knn.shape[-1]
    hd = C // H
    kf = _gather(x, knn)  # [B, N, K, C]
    q = (x @ Wq + bq).reshape(B, N, H, hd)
    k = (kf @ Wk + bk).reshape(B, N, K, H, hd)
    v = (kf @ Wv + bv).reshape(B, N, K, H, hd)
    sc = jnp.einsum('bnhd,bnkhd->bnkh', q, k) / jnp.sqrt(jnp.float32(hd))
    a = jax.nn.softmax(sc, axis=2)
    o = jnp.einsum('bnkh,bnkhd->bnhd', a, v).reshape(B, N, C)
    return o @ Wo + bo

def setup_inputs(seed: int = 0):
    key = jax.random.key(seed)
    ks = jax.random.split(key, 16)
    B, N_in, N_out = 1, 2500, 10000
    C, hid, Kp = 16, 8, 8
    def nrm(k, shp, s):
        return jax.random.normal(k, shp, dtype=jnp.float32) * s
    inp = {}
    inp['x'] = jax.random.normal(ks[0], (B, N_in, 3), dtype=jnp.float32)
    inp['x_v'] = jax.random.normal(ks[1], (B, N_out, 3), dtype=jnp.float32)
    inp['unpooling_idx'] = jax.random.randint(ks[2], (B, N_out, Kp), 0, N_in)
    inp['W_embed'] = nrm(ks[3], (3, C), 0.5)
    inp['W1'] = nrm(ks[4], (C, hid), 0.25)
    inp['b1'] = jnp.zeros((hid,), dtype=jnp.float32)
    inp['Vw'] = nrm(ks[5], (hid, 1), 0.3)
    inp['Vb'] = jnp.zeros((1,), dtype=jnp.float32)
    inp['Wq'] = nrm(ks[6], (C, C), 0.25)
    inp['bq'] = jnp.zeros((C,), dtype=jnp.float32)
    inp['Wk'] = nrm(ks[7], (C, C), 0.25)
    inp['bk'] = jnp.zeros((C,), dtype=jnp.float32)
    inp['Wv'] = nrm(ks[8], (C, C), 0.25)
    inp['bv'] = jnp.zeros((C,), dtype=jnp.float32)
    inp['Wo'] = nrm(ks[9], (C, C), 0.25)
    inp['bo'] = jnp.zeros((C,), dtype=jnp.float32)
    inp['Wout'] = nrm(ks[10], (C, 1), 0.25)
    return inp

def reference(x, x_v, unpooling_idx, W_embed, W1, b1, Vw, Vb, Wq, bq, Wk, bk, Wv, bv, Wo, bo, Wout):
    # MHAIdxDecoder forward, single stage, eval mode (dropout = identity)
    h = x @ W_embed  # embedding (bias=False)
    h, h_s = _attention_pool_idx(h, unpooling_idx, W1, b1, Vw, Vb)  # unpool 2500 -> 10000 pts
    knn = _knn_idx(x_v, KNN_K)
    h = h + _mha_knn_v(h, knn, Wq, bq, Wk, bk, Wv, bv, Wo, bo, NUM_HEADS)  # Residual(MHA_KNN_V)
    return h @ Wout  # output_0 (bias=False)

if __name__ == "__main__":
    import jax
    _d = setup_inputs()
    print(jax.jit(kernel)(*tuple(_d.values())))

</pallas_src>

<mosaic_0001>
#map = affine_map<(d0, d1) -> (0, 0)>
#map1 = affine_map<(d0, d1) -> (0, 0, 0)>
module attributes {stable_mosaic.version = 14 : i64} {
  func.func @gk(%arg0: i32, %arg1: i32, %arg2: memref<2500x128xf32, #tpu.memory_space<hbm>>, %arg3: memref<32x20x128xi32, #tpu.memory_space<hbm>>, %arg4: memref<81920x128xf32, #tpu.memory_space<hbm>>, %arg5: memref<20x128xi32, #tpu.memory_space<vmem>>, %arg6: memref<4x128x128xf32, #tpu.memory_space<vmem>>, %arg7: memref<!tpu.dma_semaphore, #tpu.memory_space<semaphore_mem>>, %arg8: memref<!tpu.dma_semaphore, #tpu.memory_space<semaphore_mem>>) attributes {dimension_semantics = [#tpu.dimension_semantics<core_parallel>, #tpu.dimension_semantics<subcore_parallel>], iteration_bounds = array<i64: 2, 16>, scalar_prefetch = 0 : i64, scratch_operands = 4 : i64, tpu.core_type = #tpu.core_type<sc_vector_subcore>, window_params = [{transform_indices = #map}, {transform_indices = #map1}, {transform_indices = #map}]} {
    %mul3A = arith.constant 2 : i32
    %mul3A_0 = arith.muli %arg1, %mul3A : i32
    %add3A = arith.addi %mul3A_0, %arg0 : i32
    %mul3A_1 = arith.constant 20 : i32
    %mul3A_2 = arith.muli %add3A, %mul3A_1 : i32
    "tpu.region"() ({
      %run_scoped3A = tpu.sem_alloc : memref<!tpu.dma_semaphore, #tpu.memory_space<semaphore_mem>>
      %dma_start3A_117 = arith.constant 0 : i32
      %dma_start3A_118 = arith.constant 0 : i32
      %dma_start3A_119 = tpu.memref_slice %arg3[%add3A, %dma_start3A_117, %dma_start3A_118] : memref<32x20x128xi32, #tpu.memory_space<hbm>> -> memref<1x20x128xi32, #tpu.memory_space<hbm>>
      %dma_start3A_120 = tpu.memref_squeeze %dma_start3A_119 : memref<1x20x128xi32, #tpu.memory_space<hbm>> -> memref<20x128xi32, #tpu.memory_space<hbm>>
      %dma_start3A_121 = arith.constant 0 : i32
      %dma_start3A_122 = arith.constant 0 : i32
      %dma_start3A_123 = tpu.memref_slice %arg3[%add3A, %dma_start3A_121, %dma_start3A_122] : memref<32x20x128xi32, #tpu.memory_space<hbm>> -> memref<1x20x128xi32, #tpu.memory_space<hbm>>
      %dma_start3A_124 = tpu.memref_squeeze %dma_start3A_123 : memref<1x20x128xi32, #tpu.memory_space<hbm>> -> memref<20x128xi32, #tpu.memory_space<hbm>>
      tpu.enqueue_dma source(%dma_start3A_124 : memref<20x128xi32, #tpu.memory_space<hbm>>) target(%arg5 : memref<20x128xi32, #tpu.memory_space<vmem>>) target_semaphore(%run_scoped3A : memref<!tpu.dma_semaphore, #tpu.memory_space<semaphore_mem>>)
      %dma_wait3A_125 = arith.constant 0 : i32
      %dma_wait3A_126 = arith.constant 0 : i32
      %dma_wait3A_127 = tpu.memref_slice %arg3[%add3A, %dma_wait3A_125, %dma_wait3A_126] : memref<32x20x128xi32, #tpu.memory_space<hbm>> -> memref<1x20x128xi32, #tpu.memory_space<hbm>>
      %dma_wait3A_128 = tpu.memref_squeeze %dma_wait3A_127 : memref<1x20x128xi32, #tpu.memory_space<hbm>> -> memref<20x128xi32, #tpu.memory_space<hbm>>
      %dma_wait3A_129 = arith.constant 0 : i32
      %dma_wait3A_130 = arith.constant 0 : i32
      %dma_wait3A_131 = tpu.memref_slice %arg3[%add3A, %dma_wait3A_129, %dma_wait3A_130] : memref<32x20x128xi32, #tpu.memory_space<hbm>> -> memref<1x20x128xi32, #tpu.memory_space<hbm>>
      %dma_wait3A_132 = tpu.memref_squeeze %dma_wait3A_131 : memref<1x20x128xi32, #tpu.memory_space<hbm>> -> memref<20x128xi32, #tpu.memory_space<hbm>>
      tpu.wait_dma2 semaphore(%run_scoped3A : memref<!tpu.dma_semaphore, #tpu.memory_space<semaphore_mem>>) src(%dma_wait3A_132 : memref<20x128xi32, #tpu.memory_space<hbm>>) dst(%arg5 : memref<20x128xi32, #tpu.memory_space<vmem>>)
      tpu.yield
    }) : () -> ()
    %dma_start3A = arith.constant 0 : i32
    %dma_start3A_3 = arith.constant 0 : i32
    %dma_start3A_4 = arith.constant 0 : i32
    %dma_start3A_5 = arith.constant 0 : i32
    %dma_start3A_6 = tpu.memref_slice %arg6[%dma_start3A_3, %dma_start3A_4, %dma_start3A_5] : memref<4x128x128xf32, #tpu.memory_space<vmem>> -> memref<1x128x128xf32, #tpu.memory_space<vmem>>
    %dma_start3A_7 = tpu.memref_squeeze %dma_start3A_6 : memref<1x128x128xf32, #tpu.memory_space<vmem>> -> memref<128x128xf32, #tpu.memory_space<vmem>>
    %dma_start3A_8 = arith.constant 0 : i32
    %dma_start3A_9 = tpu.memref_slice %arg5[%dma_start3A, %dma_start3A_8] : memref<20x128xi32, #tpu.memory_space<vmem>> -> memref<1x128xi32, #tpu.memory_space<vmem>>
    %dma_start3A_10 = tpu.memref_squeeze %dma_start3A_9 : memref<1x128xi32, #tpu.memory_space<vmem>> -> memref<128xi32, #tpu.memory_space<vmem>>
    %dma_start3A_11 = arith.constant 0 : i32
    %dma_start3A_12 = arith.constant 0 : i32
    %dma_start3A_13 = tpu.memref_slice %arg2[%dma_start3A_11, %dma_start3A_12] : memref<2500x128xf32, #tpu.memory_space<hbm>> -> memref<2500x128xf32, #tpu.memory_space<hbm>>
    tpu.enqueue_indirect_dma source(%dma_start3A_13 : memref<2500x128xf32, #tpu.memory_space<hbm>>) target(%dma_start3A_7 : memref<128x128xf32, #tpu.memory_space<vmem>>) offsets(%dma_start3A_10 : memref<128xi32, #tpu.memory_space<vmem>>) semaphore(%arg7 : memref<!tpu.dma_semaphore, #tpu.memory_space<semaphore_mem>>)
    %dma_start3A_14 = arith.constant 1 : i32
    %dma_start3A_15 = arith.constant 1 : i32
    %dma_start3A_16 = arith.constant 0 : i32
    %dma_start3A_17 = arith.constant 0 : i32
    %dma_start3A_18 = tpu.memref_slice %arg6[%dma_start3A_15, %dma_start3A_16, %dma_start3A_17] : memref<4x128x128xf32, #tpu.memory_space<vmem>> -> memref<1x128x128xf32, #tpu.memory_space<vmem>>
    %dma_start3A_19 = tpu.memref_squeeze %dma_start3A_18 : memref<1x128x128xf32, #tpu.memory_space<vmem>> -> memref<128x128xf32, #tpu.memory_space<vmem>>
    %dma_start3A_20 = arith.constant 0 : i32
    %dma_start3A_21 = tpu.memref_slice %arg5[%dma_start3A_14, %dma_start3A_20] : memref<20x128xi32, #tpu.memory_space<vmem>> -> memref<1x128xi32, #tpu.memory_space<vmem>>
    %dma_start3A_22 = tpu.memref_squeeze %dma_start3A_21 : memref<1x128xi32, #tpu.memory_space<vmem>> -> memref<128xi32, #tpu.memory_space<vmem>>
    %dma_start3A_23 = arith.constant 0 : i32
    %dma_start3A_24 = arith.constant 0 : i32
    %dma_start3A_25 = tpu.memref_slice %arg2[%dma_start3A_23, %dma_start3A_24] : memref<2500x128xf32, #tpu.memory_space<hbm>> -> memref<2500x128xf32, #tpu.memory_space<hbm>>
    tpu.enqueue_indirect_dma source(%dma_start3A_25 : memref<2500x128xf32, #tpu.memory_space<hbm>>) target(%dma_start3A_19 : memref<128x128xf32, #tpu.memory_space<vmem>>) offsets(%dma_start3A_22 : memref<128xi32, #tpu.memory_space<vmem>>) semaphore(%arg7 : memref<!tpu.dma_semaphore, #tpu.memory_space<semaphore_mem>>)
    %dma_start3A_26 = arith.constant 2 : i32
    %dma_start3A_27 = arith.constant 2 : i32
    %dma_start3A_28 = arith.constant 0 : i32
    %dma_start3A_29 = arith.constant 0 : i32
    %dma_start3A_30 = tpu.memref_slice %arg6[%dma_start3A_27, %dma_start3A_28, %dma_start3A_29] : memref<4x128x128xf32, #tpu.memory_space<vmem>> -> memref<1x128x128xf32, #tpu.memory_space<vmem>>
    %dma_start3A_31 = tpu.memref_squeeze %dma_start3A_30 : memref<1x128x128xf32, #tpu.memory_space<vmem>> -> memref<128x128xf32, #tpu.memory_space<vmem>>
    %dma_start3A_32 = arith.constant 0 : i32
    %dma_start3A_33 = tpu.memref_slice %arg5[%dma_start3A_26, %dma_start3A_32] : memref<20x128xi32, #tpu.memory_space<vmem>> -> memref<1x128xi32, #tpu.memory_space<vmem>>
    %dma_start3A_34 = tpu.memref_squeeze %dma_start3A_33 : memref<1x128xi32, #tpu.memory_space<vmem>> -> memref<128xi32, #tpu.memory_space<vmem>>
    %dma_start3A_35 = arith.constant 0 : i32
    %dma_start3A_36 = arith.constant 0 : i32
    %dma_start3A_37 = tpu.memref_slice %arg2[%dma_start3A_35, %dma_start3A_36] : memref<2500x128xf32, #tpu.memory_space<hbm>> -> memref<2500x128xf32, #tpu.memory_space<hbm>>
    tpu.enqueue_indirect_dma source(%dma_start3A_37 : memref<2500x128xf32, #tpu.memory_space<hbm>>) target(%dma_start3A_31 : memref<128x128xf32, #tpu.memory_space<vmem>>) offsets(%dma_start3A_34 : memref<128xi32, #tpu.memory_space<vmem>>) semaphore(%arg7 : memref<!tpu.dma_semaphore, #tpu.memory_space<semaphore_mem>>)
    %scan3A = arith.constant 0 : i32
    %scan3A_38 = arith.constant 0 : i32
    %scan3A_39 = arith.constant 20 : i32
    %scan3A_40 = arith.addi %scan3A_38, %scan3A_39 : i32
    %scan3A_41 = arith.constant 1 : i32
    scf.for %scan3A_117 = %scan3A_38 to %scan3A_40 step %scan3A_41  : i32 {
      %rem3A_118 = arith.constant 4 : i32
      %rem3A_119 = arith.remsi %scan3A_117, %rem3A_118 : i32
      %add3A_120 = arith.constant 3 : i32
      %add3A_121 = arith.addi %scan3A_117, %add3A_120 : i32
      %lt3A = arith.constant 20 : i32
      %lt3A_122 = arith.cmpi slt, %add3A_121, %lt3A : i32
      %convert_element_type3A = arith.extui %lt3A_122 : i1 to i32
      %cond3A = arith.constant 0 : i32
      %cond3A_123 = arith.cmpi ne, %convert_element_type3A, %cond3A : i32
      scf.if %cond3A_123 {
        %ge3A = arith.constant 1 : i32
        %ge3A_149 = arith.cmpi sge, %scan3A_117, %ge3A : i32
        %convert_element_type3A_150 = arith.extui %ge3A_149 : i1 to i32
        %cond3A_151 = arith.constant 0 : i32
        %cond3A_152 = arith.cmpi ne, %convert_element_type3A_150, %cond3A_151 : i32
        scf.if %cond3A_152 {
          %add3A_169 = arith.constant 3 : i32
          %add3A_170 = arith.addi %scan3A_117, %add3A_169 : i32
          %rem3A_171 = arith.constant 4 : i32
          %rem3A_172 = arith.remsi %add3A_170, %rem3A_171 : i32
          %add3A_173 = arith.addi %mul3A_2, %scan3A_117 : i32
          %sub3A = arith.constant 1 : i32
          %sub3A_174 = arith.subi %add3A_173, %sub3A : i32
          %mul3A_175 = arith.constant 128 : i32
          %mul3A_176 = arith.muli %sub3A_174, %mul3A_175 : i32
          %dma_wait3A_177 = arith.constant 0 : i32
          %dma_wait3A_178 = arith.constant 0 : i32
          %dma_wait3A_179 = tpu.memref_slice %arg6[%rem3A_172, %dma_wait3A_177, %dma_wait3A_178] : memref<4x128x128xf32, #tpu.memory_space<vmem>> -> memref<1x128x128xf32, #tpu.memory_space<vmem>>
          %dma_wait3A_180 = tpu.memref_squeeze %dma_wait3A_179 : memref<1x128x128xf32, #tpu.memory_space<vmem>> -> memref<128x128xf32, #tpu.memory_space<vmem>>
          %dma_wait3A_181 = arith.constant 0 : i32
          %dma_wait3A_182 = tpu.memref_slice %arg4[%mul3A_176, %dma_wait3A_181] : memref<81920x128xf32, #tpu.memory_space<hbm>> -> memref<128x128xf32, #tpu.memory_space<hbm>>
          %dma_wait3A_183 = arith.constant 0 : i32
          %dma_wait3A_184 = tpu.memref_slice %arg4[%mul3A_176, %dma_wait3A_183] : memref<81920x128xf32, #tpu.memory_space<hbm>> -> memref<128x128xf32, #tpu.memory_space<hbm>>
          %dma_wait3A_185 = arith.constant 0 : i32
          %dma_wait3A_186 = arith.constant 0 : i32
          %dma_wait3A_187 = tpu.memref_slice %arg6[%rem3A_172, %dma_wait3A_185, %dma_wait3A_186] : memref<4x128x128xf32, #tpu.memory_space<vmem>> -> memref<1x128x128xf32, #tpu.memory_space<vmem>>
          %dma_wait3A_188 = tpu.memref_squeeze %dma_wait3A_187 : memref<1x128x128xf32, #tpu.memory_space<vmem>> -> memref<128x128xf32, #tpu.memory_space<vmem>>
          tpu.wait_dma2 semaphore(%arg8 : memref<!tpu.dma_semaphore, #tpu.memory_space<semaphore_mem>>) src(%dma_wait3A_188 : memref<128x128xf32, #tpu.memory_space<vmem>>) dst(%dma_wait3A_184 : memref<128x128xf32, #tpu.memory_space<hbm>>)
        } else {
        }
        %add3A_153 = arith.constant 3 : i32
        %add3A_154 = arith.addi %scan3A_117, %add3A_153 : i32
        %add3A_155 = arith.constant 3 : i32
        %add3A_156 = arith.addi %scan3A_117, %add3A_155 : i32
        %rem3A_157 = arith.constant 4 : i32
        %rem3A_158 = arith.remsi %add3A_156, %rem3A_157 : i32
        %dma_start3A_159 = arith.constant 0 : i32
        %dma_start3A_160 = arith.constant 0 : i32
        %dma_start3A_161 = tpu.memref_slice %arg6[%rem3A_158, %dma_start3A_159, %dma_start3A_160] : memref<4x128x128xf32, #tpu.memory_space<vmem>> -> memref<1x128x128xf32, #tpu.memory_space<vmem>>
        %dma_start3A_162 = tpu.memref_squeeze %dma_start3A_161 : memref<1x128x128xf32, #tpu.memory_space<vmem>> -> memref<128x128xf32, #tpu.memory_space<vmem>>
        %dma_start3A_163 = arith.constant 0 : i32
        %dma_start3A_164 = tpu.memref_slice %arg5[%add3A_154, %dma_start3A_163] : memref<20x128xi32, #tpu.memory_space<vmem>> -> memref<1x128xi32, #tpu.memory_space<vmem>>
        %dma_start3A_165 = tpu.memref_squeeze %dma_start3A_164 : memref<1x128xi32, #tpu.memory_space<vmem>> -> memref<128xi32, #tpu.memory_space<vmem>>
        %dma_start3A_166 = arith.constant 0 : i32
        %dma_start3A_167 = arith.constant 0 : i32
        %dma_start3A_168 = tpu.memref_slice %arg2[%dma_start3A_166, %dma_start3A_167] : memref<2500x128xf32, #tpu.memory_space<hbm>> -> memref<2500x128xf32, #tpu.memory_space<hbm>>
        tpu.enqueue_indirect_dma source(%dma_start3A_168 : memref<2500x128xf32, #tpu.memory_space<hbm>>) target(%dma_start3A_162 : memref<128x128xf32, #tpu.memory_space<vmem>>) offsets(%dma_start3A_165 : memref<128xi32, #tpu.memory_space<vmem>>) semaphore(%arg7 : memref<!tpu.dma_semaphore, #tpu.memory_space<semaphore_mem>>)
      } else {
      }
      %dma_wait3A_124 = arith.constant 0 : i32
      %dma_wait3A_125 = arith.constant 0 : i32
      %dma_wait3A_126 = tpu.memref_slice %arg6[%rem3A_119, %dma_wait3A_124, %dma_wait3A_125] : memref<4x128x128xf32, #tpu.memory_space<vmem>> -> memref<1x128x128xf32, #tpu.memory_space<vmem>>
      %dma_wait3A_127 = tpu.memref_squeeze %dma_wait3A_126 : memref<1x128x128xf32, #tpu.memory_space<vmem>> -> memref<128x128xf32, #tpu.memory_space<vmem>>
      %dma_wait3A_128 = arith.constant 0 : i32
      %dma_wait3A_129 = tpu.memref_slice %arg5[%scan3A_117, %dma_wait3A_128] : memref<20x128xi32, #tpu.memory_space<vmem>> -> memref<1x128xi32, #tpu.memory_space<vmem>>
      %dma_wait3A_130 = tpu.memref_squeeze %dma_wait3A_129 : memref<1x128xi32, #tpu.memory_space<vmem>> -> memref<128xi32, #tpu.memory_space<vmem>>
      %dma_wait3A_131 = arith.constant 0 : i32
      %dma_wait3A_132 = arith.constant 0 : i32
      %dma_wait3A_133 = tpu.memref_slice %arg2[%dma_wait3A_131, %dma_wait3A_132] : memref<2500x128xf32, #tpu.memory_space<hbm>> -> memref<2500x128xf32, #tpu.memory_space<hbm>>
      tpu.wait_indirect_dma semaphore(%arg7 : memref<!tpu.dma_semaphore, #tpu.memory_space<semaphore_mem>>) src(%dma_wait3A_133 : memref<2500x128xf32, #tpu.memory_space<hbm>>) dst(%dma_wait3A_127 : memref<128x128xf32, #tpu.memory_space<vmem>>)
      %add3A_134 = arith.addi %mul3A_2, %scan3A_117 : i32
      %mul3A_135 = arith.constant 128 : i32
      %mul3A_136 = arith.muli %add3A_134, %mul3A_135 : i32
      %dma_start3A_137 = arith.constant 0 : i32
      %dma_start3A_138 = arith.constant 0 : i32
      %dma_start3A_139 = tpu.memref_slice %arg6[%rem3A_119, %dma_start3A_137, %dma_start3A_138] : memref<4x128x128xf32, #tpu.memory_space<vmem>> -> memref<1x128x128xf32, #tpu.memory_space<vmem>>
      %dma_start3A_140 = tpu.memref_squeeze %dma_start3A_139 : memref<1x128x128xf32, #tpu.memory_space<vmem>> -> memref<128x128xf32, #tpu.memory_space<vmem>>
      %dma_start3A_141 = arith.constant 0 : i32
      %dma_start3A_142 = tpu.memref_slice %arg4[%mul3A_136, %dma_start3A_141] : memref<81920x128xf32, #tpu.memory_space<hbm>> -> memref<128x128xf32, #tpu.memory_space<hbm>>
      %dma_start3A_143 = arith.constant 0 : i32
      %dma_start3A_144 = tpu.memref_slice %arg4[%mul3A_136, %dma_start3A_143] : memref<81920x128xf32, #tpu.memory_space<hbm>> -> memref<128x128xf32, #tpu.memory_space<hbm>>
      %dma_start3A_145 = arith.constant 0 : i32
      %dma_start3A_146 = arith.constant 0 : i32
      %dma_start3A_147 = tpu.memref_slice %arg6[%rem3A_119, %dma_start3A_145, %dma_start3A_146] : memref<4x128x128xf32, #tpu.memory_space<vmem>> -> memref<1x128x128xf32, #tpu.memory_space<vmem>>
      %dma_start3A_148 = tpu.memref_squeeze %dma_start3A_147 : memref<1x128x128xf32, #tpu.memory_space<vmem>> -> memref<128x128xf32, #tpu.memory_space<vmem>>
      tpu.enqueue_dma source(%dma_start3A_148 : memref<128x128xf32, #tpu.memory_space<vmem>>) target(%dma_start3A_144 : memref<128x128xf32, #tpu.memory_space<hbm>>) target_semaphore(%arg8 : memref<!tpu.dma_semaphore, #tpu.memory_space<semaphore_mem>>)
    }
    %scan3A_42 = arith.constant 20 : i32
    %rem3A = arith.constant 16 : i32
    %rem3A_43 = arith.constant 4 : i32
    %rem3A_44 = arith.remsi %rem3A, %rem3A_43 : i32
    %add3A_45 = arith.constant 16 : i32
    %add3A_46 = arith.addi %mul3A_2, %add3A_45 : i32
    %mul3A_47 = arith.constant 128 : i32
    %mul3A_48 = arith.muli %add3A_46, %mul3A_47 : i32
    %dma_wait3A = arith.constant 0 : i32
    %dma_wait3A_49 = arith.constant 0 : i32
    %dma_wait3A_50 = tpu.memref_slice %arg6[%rem3A_44, %dma_wait3A, %dma_wait3A_49] : memref<4x128x128xf32, #tpu.memory_space<vmem>> -> memref<1x128x128xf32, #tpu.memory_space<vmem>>
    %dma_wait3A_51 = tpu.memref_squeeze %dma_wait3A_50 : memref<1x128x128xf32, #tpu.memory_space<vmem>> -> memref<128x128xf32, #tpu.memory_space<vmem>>
    %dma_wait3A_52 = arith.constant 0 : i32
    %dma_wait3A_53 = tpu.memref_slice %arg4[%mul3A_48, %dma_wait3A_52] : memref<81920x128xf32, #tpu.memory_space<hbm>> -> memref<128x128xf32, #tpu.memory_space<hbm>>
    %dma_wait3A_54 = arith.constant 0 : i32
    %dma_wait3A_55 = tpu.memref_slice %arg4[%mul3A_48, %dma_wait3A_54] : memref<81920x128xf32, #tpu.memory_space<hbm>> -> memref<128x128xf32, #tpu.memory_space<hbm>>
    %dma_wait3A_56 = arith.constant 0 : i32
    %dma_wait3A_57 = arith.constant 0 : i32
    %dma_wait3A_58 = tpu.memref_slice %arg6[%rem3A_44, %dma_wait3A_56, %dma_wait3A_57] : memref<4x128x128xf32, #tpu.memory_space<vmem>> -> memref<1x128x128xf32, #tpu.memory_space<vmem>>
    %dma_wait3A_59 = tpu.memref_squeeze %dma_wait3A_58 : memref<1x128x128xf32, #tpu.memory_space<vmem>> -> memref<128x128xf32, #tpu.memory_space<vmem>>
    tpu.wait_dma2 semaphore(%arg8 : memref<!tpu.dma_semaphore, #tpu.memory_space<semaphore_mem>>) src(%dma_wait3A_59 : memref<128x128xf32, #tpu.memory_space<vmem>>) dst(%dma_wait3A_55 : memref<128x128xf32, #tpu.memory_space<hbm>>)
    %rem3A_60 = arith.constant 17 : i32
    %rem3A_61 = arith.constant 4 : i32
    %rem3A_62 = arith.remsi %rem3A_60, %rem3A_61 : i32
    %add3A_63 = arith.constant 17 : i32
    %add3A_64 = arith.addi %mul3A_2, %add3A_63 : i32
    %mul3A_65 = arith.constant 128 : i32
    %mul3A_66 = arith.muli %add3A_64, %mul3A_65 : i32
    %dma_wait3A_67 = arith.constant 0 : i32
    %dma_wait3A_68 = arith.constant 0 : i32
    %dma_wait3A_69 = tpu.memref_slice %arg6[%rem3A_62, %dma_wait3A_67, %dma_wait3A_68] : memref<4x128x128xf32, #tpu.memory_space<vmem>> -> memref<1x128x128xf32, #tpu.memory_space<vmem>>
    %dma_wait3A_70 = tpu.memref_squeeze %dma_wait3A_69 : memref<1x128x128xf32, #tpu.memory_space<vmem>> -> memref<128x128xf32, #tpu.memory_space<vmem>>
    %dma_wait3A_71 = arith.constant 0 : i32
    %dma_wait3A_72 = tpu.memref_slice %arg4[%mul3A_66, %dma_wait3A_71] : memref<81920x128xf32, #tpu.memory_space<hbm>> -> memref<128x128xf32, #tpu.memory_space<hbm>>
    %dma_wait3A_73 = arith.constant 0 : i32
    %dma_wait3A_74 = tpu.memref_slice %arg4[%mul3A_66, %dma_wait3A_73] : memref<81920x128xf32, #tpu.memory_space<hbm>> -> memref<128x128xf32, #tpu.memory_space<hbm>>
    %dma_wait3A_75 = arith.constant 0 : i32
    %dma_wait3A_76 = arith.constant 0 : i32
    %dma_wait3A_77 = tpu.memref_slice %arg6[%rem3A_62, %dma_wait3A_75, %dma_wait3A_76] : memref<4x128x128xf32, #tpu.memory_space<vmem>> -> memref<1x128x128xf32, #tpu.memory_space<vmem>>
    %dma_wait3A_78 = tpu.memref_squeeze %dma_wait3A_77 : memref<1x128x128xf32, #tpu.memory_space<vmem>> -> memref<128x128xf32, #tpu.memory_space<vmem>>
    tpu.wait_dma2 semaphore(%arg8 : memref<!tpu.dma_semaphore, #tpu.memory_space<semaphore_mem>>) src(%dma_wait3A_78 : memref<128x128xf32, #tpu.memory_space<vmem>>) dst(%dma_wait3A_74 : memref<128x128xf32, #tpu.memory_space<hbm>>)
    %rem3A_79 = arith.constant 18 : i32
    %rem3A_80 = arith.constant 4 : i32
    %rem3A_81 = arith.remsi %rem3A_79, %rem3A_80 : i32
    %add3A_82 = arith.constant 18 : i32
    %add3A_83 = arith.addi %mul3A_2, %add3A_82 : i32
    %mul3A_84 = arith.constant 128 : i32
    %mul3A_85 = arith.muli %add3A_83, %mul3A_84 : i32
    %dma_wait3A_86 = arith.constant 0 : i32
    %dma_wait3A_87 = arith.constant 0 : i32
    %dma_wait3A_88 = tpu.memref_slice %arg6[%rem3A_81, %dma_wait3A_86, %dma_wait3A_87] : memref<4x128x128xf32, #tpu.memory_space<vmem>> -> memref<1x128x128xf32, #tpu.memory_space<vmem>>
    %dma_wait3A_89 = tpu.memref_squeeze %dma_wait3A_88 : memref<1x128x128xf32, #tpu.memory_space<vmem>> -> memref<128x128xf32, #tpu.memory_space<vmem>>
    %dma_wait3A_90 = arith.constant 0 : i32
    %dma_wait3A_91 = tpu.memref_slice %arg4[%mul3A_85, %dma_wait3A_90] : memref<81920x128xf32, #tpu.memory_space<hbm>> -> memref<128x128xf32, #tpu.memory_space<hbm>>
    %dma_wait3A_92 = arith.constant 0 : i32
    %dma_wait3A_93 = tpu.memref_slice %arg4[%mul3A_85, %dma_wait3A_92] : memref<81920x128xf32, #tpu.memory_space<hbm>> -> memref<128x128xf32, #tpu.memory_space<hbm>>
    %dma_wait3A_94 = arith.constant 0 : i32
    %dma_wait3A_95 = arith.constant 0 : i32
    %dma_wait3A_96 = tpu.memref_slice %arg6[%rem3A_81, %dma_wait3A_94, %dma_wait3A_95] : memref<4x128x128xf32, #tpu.memory_space<vmem>> -> memref<1x128x128xf32, #tpu.memory_space<vmem>>
    %dma_wait3A_97 = tpu.memref_squeeze %dma_wait3A_96 : memref<1x128x128xf32, #tpu.memory_space<vmem>> -> memref<128x128xf32, #tpu.memory_space<vmem>>
    tpu.wait_dma2 semaphore(%arg8 : memref<!tpu.dma_semaphore, #tpu.memory_space<semaphore_mem>>) src(%dma_wait3A_97 : memref<128x128xf32, #tpu.memory_space<vmem>>) dst(%dma_wait3A_93 : memref<128x128xf32, #tpu.memory_space<hbm>>)
    %rem3A_98 = arith.constant 19 : i32
    %rem3A_99 = arith.constant 4 : i32
    %rem3A_100 = arith.remsi %rem3A_98, %rem3A_99 : i32
    %add3A_101 = arith.constant 19 : i32
    %add3A_102 = arith.addi %mul3A_2, %add3A_101 : i32
    %mul3A_103 = arith.constant 128 : i32
    %mul3A_104 = arith.muli %add3A_102, %mul3A_103 : i32
    %dma_wait3A_105 = arith.constant 0 : i32
    %dma_wait3A_106 = arith.constant 0 : i32
    %dma_wait3A_107 = tpu.memref_slice %arg6[%rem3A_100, %dma_wait3A_105, %dma_wait3A_106] : memref<4x128x128xf32, #tpu.memory_space<vmem>> -> memref<1x128x128xf32, #tpu.memory_space<vmem>>
    %dma_wait3A_108 = tpu.memref_squeeze %dma_wait3A_107 : memref<1x128x128xf32, #tpu.memory_space<vmem>> -> memref<128x128xf32, #tpu.memory_space<vmem>>
    %dma_wait3A_109 = arith.constant 0 : i32
    %dma_wait3A_110 = tpu.memref_slice %arg4[%mul3A_104, %dma_wait3A_109] : memref<81920x128xf32, #tpu.memory_space<hbm>> -> memref<128x128xf32, #tpu.memory_space<hbm>>
    %dma_wait3A_111 = arith.constant 0 : i32
    %dma_wait3A_112 = tpu.memref_slice %arg4[%mul3A_104, %dma_wait3A_111] : memref<81920x128xf32, #tpu.memory_space<hbm>> -> memref<128x128xf32, #tpu.memory_space<hbm>>
    %dma_wait3A_113 = arith.constant 0 : i32
    %dma_wait3A_114 = arith.constant 0 : i32
    %dma_wait3A_115 = tpu.memref_slice %arg6[%rem3A_100, %dma_wait3A_113, %dma_wait3A_114] : memref<4x128x128xf32, #tpu.memory_space<vmem>> -> memref<1x128x128xf32, #tpu.memory_space<vmem>>
    %dma_wait3A_116 = tpu.memref_squeeze %dma_wait3A_115 : memref<1x128x128xf32, #tpu.memory_space<vmem>> -> memref<128x128xf32, #tpu.memory_space<vmem>>
    tpu.wait_dma2 semaphore(%arg8 : memref<!tpu.dma_semaphore, #tpu.memory_space<semaphore_mem>>) src(%dma_wait3A_116 : memref<128x128xf32, #tpu.memory_space<vmem>>) dst(%dma_wait3A_112 : memref<128x128xf32, #tpu.memory_space<hbm>>)
    return
  }
}

#map = affine_map<(d0, d1) -> (0, 0)>
#map1 = affine_map<(d0, d1) -> (0, 0, 0)>
module attributes {stable_mosaic.version = 14 : i64} {
  func.func @gk(%arg0: i32, %arg1: i32, %arg2: memref<10000x128xf32, #tpu.memory_space<hbm>>, %arg3: memref<32x66x128xi32, #tpu.memory_space<hbm>>, %arg4: memref<270336x128xf32, #tpu.memory_space<hbm>>, %arg5: memref<66x128xi32, #tpu.memory_space<vmem>>, %arg6: memref<4x128x128xf32, #tpu.memory_space<vmem>>, %arg7: memref<!tpu.dma_semaphore, #tpu.memory_space<semaphore_mem>>, %arg8: memref<!tpu.dma_semaphore, #tpu.memory_space<semaphore_mem>>) attributes {dimension_semantics = [#tpu.dimension_semantics<core_parallel>, #tpu.dimension_semantics<subcore_parallel>], iteration_bounds = array<i64: 2, 16>, scalar_prefetch = 0 : i64, scratch_operands = 4 : i64, tpu.core_type = #tpu.core_type<sc_vector_subcore>, window_params = [{transform_indices = #map}, {transform_indices = #map1}, {transform_indices = #map}]} {
    %mul3A = arith.constant 2 : i32
    %mul3A_0 = arith.muli %arg1, %mul3A : i32
    %add3A = arith.addi %mul3A_0, %arg0 : i32
    %mul3A_1 = arith.constant 66 : i32
    %mul3A_2 = arith.muli %add3A, %mul3A_1 : i32
    "tpu.region"() ({
      %run_scoped3A = tpu.sem_alloc : memref<!tpu.dma_semaphore, #tpu.memory_space<semaphore_mem>>
      %dma_start3A_117 = arith.constant 0 : i32
      %dma_start3A_118 = arith.constant 0 : i32
      %dma_start3A_119 = tpu.memref_slice %arg3[%add3A, %dma_start3A_117, %dma_start3A_118] : memref<32x66x128xi32, #tpu.memory_space<hbm>> -> memref<1x66x128xi32, #tpu.memory_space<hbm>>
      %dma_start3A_120 = tpu.memref_squeeze %dma_start3A_119 : memref<1x66x128xi32, #tpu.memory_space<hbm>> -> memref<66x128xi32, #tpu.memory_space<hbm>>
      %dma_start3A_121 = arith.constant 0 : i32
      %dma_start3A_122 = arith.constant 0 : i32
      %dma_start3A_123 = tpu.memref_slice %arg3[%add3A, %dma_start3A_121, %dma_start3A_122] : memref<32x66x128xi32, #tpu.memory_space<hbm>> -> memref<1x66x128xi32, #tpu.memory_space<hbm>>
      %dma_start3A_124 = tpu.memref_squeeze %dma_start3A_123 : memref<1x66x128xi32, #tpu.memory_space<hbm>> -> memref<66x128xi32, #tpu.memory_space<hbm>>
      tpu.enqueue_dma source(%dma_start3A_124 : memref<66x128xi32, #tpu.memory_space<hbm>>) target(%arg5 : memref<66x128xi32, #tpu.memory_space<vmem>>) target_semaphore(%run_scoped3A : memref<!tpu.dma_semaphore, #tpu.memory_space<semaphore_mem>>)
      %dma_wait3A_125 = arith.constant 0 : i32
      %dma_wait3A_126 = arith.constant 0 : i32
      %dma_wait3A_127 = tpu.memref_slice %arg3[%add3A, %dma_wait3A_125, %dma_wait3A_126] : memref<32x66x128xi32, #tpu.memory_space<hbm>> -> memref<1x66x128xi32, #tpu.memory_space<hbm>>
      %dma_wait3A_128 = tpu.memref_squeeze %dma_wait3A_127 : memref<1x66x128xi32, #tpu.memory_space<hbm>> -> memref<66x128xi32, #tpu.memory_space<hbm>>
      %dma_wait3A_129 = arith.constant 0 : i32
      %dma_wait3A_130 = arith.constant 0 : i32
      %dma_wait3A_131 = tpu.memref_slice %arg3[%add3A, %dma_wait3A_129, %dma_wait3A_130] : memref<32x66x128xi32, #tpu.memory_space<hbm>> -> memref<1x66x128xi32, #tpu.memory_space<hbm>>
      %dma_wait3A_132 = tpu.memref_squeeze %dma_wait3A_131 : memref<1x66x128xi32, #tpu.memory_space<hbm>> -> memref<66x128xi32, #tpu.memory_space<hbm>>
      tpu.wait_dma2 semaphore(%run_scoped3A : memref<!tpu.dma_semaphore, #tpu.memory_space<semaphore_mem>>) src(%dma_wait3A_132 : memref<66x128xi32, #tpu.memory_space<hbm>>) dst(%arg5 : memref<66x128xi32, #tpu.memory_space<vmem>>)
      tpu.yield
    }) : () -> ()
    %dma_start3A = arith.constant 0 : i32
    %dma_start3A_3 = arith.constant 0 : i32
    %dma_start3A_4 = arith.constant 0 : i32
    %dma_start3A_5 = arith.constant 0 : i32
    %dma_start3A_6 = tpu.memref_slice %arg6[%dma_start3A_3, %dma_start3A_4, %dma_start3A_5] : memref<4x128x128xf32, #tpu.memory_space<vmem>> -> memref<1x128x128xf32, #tpu.memory_space<vmem>>
    %dma_start3A_7 = tpu.memref_squeeze %dma_start3A_6 : memref<1x128x128xf32, #tpu.memory_space<vmem>> -> memref<128x128xf32, #tpu.memory_space<vmem>>
    %dma_start3A_8 = arith.constant 0 : i32
    %dma_start3A_9 = tpu.memref_slice %arg5[%dma_start3A, %dma_start3A_8] : memref<66x128xi32, #tpu.memory_space<vmem>> -> memref<1x128xi32, #tpu.memory_space<vmem>>
    %dma_start3A_10 = tpu.memref_squeeze %dma_start3A_9 : memref<1x128xi32, #tpu.memory_space<vmem>> -> memref<128xi32, #tpu.memory_space<vmem>>
    %dma_start3A_11 = arith.constant 0 : i32
    %dma_start3A_12 = arith.constant 0 : i32
    %dma_start3A_13 = tpu.memref_slice %arg2[%dma_start3A_11, %dma_start3A_12] : memref<10000x128xf32, #tpu.memory_space<hbm>> -> memref<10000x128xf32, #tpu.memory_space<hbm>>
    tpu.enqueue_indirect_dma source(%dma_start3A_13 : memref<10000x128xf32, #tpu.memory_space<hbm>>) target(%dma_start3A_7 : memref<128x128xf32, #tpu.memory_space<vmem>>) offsets(%dma_start3A_10 : memref<128xi32, #tpu.memory_space<vmem>>) semaphore(%arg7 : memref<!tpu.dma_semaphore, #tpu.memory_space<semaphore_mem>>)
    %dma_start3A_14 = arith.constant 1 : i32
    %dma_start3A_15 = arith.constant 1 : i32
    %dma_start3A_16 = arith.constant 0 : i32
    %dma_start3A_17 = arith.constant 0 : i32
    %dma_start3A_18 = tpu.memref_slice %arg6[%dma_start3A_15, %dma_start3A_16, %dma_start3A_17] : memref<4x128x128xf32, #tpu.memory_space<vmem>> -> memref<1x128x128xf32, #tpu.memory_space<vmem>>
    %dma_start3A_19 = tpu.memref_squeeze %dma_start3A_18 : memref<1x128x128xf32, #tpu.memory_space<vmem>> -> memref<128x128xf32, #tpu.memory_space<vmem>>
    %dma_start3A_20 = arith.constant 0 : i32
    %dma_start3A_21 = tpu.memref_slice %arg5[%dma_start3A_14, %dma_start3A_20] : memref<66x128xi32, #tpu.memory_space<vmem>> -> memref<1x128xi32, #tpu.memory_space<vmem>>
    %dma_start3A_22 = tpu.memref_squeeze %dma_start3A_21 : memref<1x128xi32, #tpu.memory_space<vmem>> -> memref<128xi32, #tpu.memory_space<vmem>>
    %dma_start3A_23 = arith.constant 0 : i32
    %dma_start3A_24 = arith.constant 0 : i32
    %dma_start3A_25 = tpu.memref_slice %arg2[%dma_start3A_23, %dma_start3A_24] : memref<10000x128xf32, #tpu.memory_space<hbm>> -> memref<10000x128xf32, #tpu.memory_space<hbm>>
    tpu.enqueue_indirect_dma source(%dma_start3A_25 : memref<10000x128xf32, #tpu.memory_space<hbm>>) target(%dma_start3A_19 : memref<128x128xf32, #tpu.memory_space<vmem>>) offsets(%dma_start3A_22 : memref<128xi32, #tpu.memory_space<vmem>>) semaphore(%arg7 : memref<!tpu.dma_semaphore, #tpu.memory_space<semaphore_mem>>)
    %dma_start3A_26 = arith.constant 2 : i32
    %dma_start3A_27 = arith.constant 2 : i32
    %dma_start3A_28 = arith.constant 0 : i32
    %dma_start3A_29 = arith.constant 0 : i32
    %dma_start3A_30 = tpu.memref_slice %arg6[%dma_start3A_27, %dma_start3A_28, %dma_start3A_29] : memref<4x128x128xf32, #tpu.memory_space<vmem>> -> memref<1x128x128xf32, #tpu.memory_space<vmem>>
    %dma_start3A_31 = tpu.memref_squeeze %dma_start3A_30 : memref<1x128x128xf32, #tpu.memory_space<vmem>> -> memref<128x128xf32, #tpu.memory_space<vmem>>
    %dma_start3A_32 = arith.constant 0 : i32
    %dma_start3A_33 = tpu.memref_slice %arg5[%dma_start3A_26, %dma_start3A_32] : memref<66x128xi32, #tpu.memory_space<vmem>> -> memref<1x128xi32, #tpu.memory_space<vmem>>
    %dma_start3A_34 = tpu.memref_squeeze %dma_start3A_33 : memref<1x128xi32, #tpu.memory_space<vmem>> -> memref<128xi32, #tpu.memory_space<vmem>>
    %dma_start3A_35 = arith.constant 0 : i32
    %dma_start3A_36 = arith.constant 0 : i32
    %dma_start3A_37 = tpu.memref_slice %arg2[%dma_start3A_35, %dma_start3A_36] : memref<10000x128xf32, #tpu.memory_space<hbm>> -> memref<10000x128xf32, #tpu.memory_space<hbm>>
    tpu.enqueue_indirect_dma source(%dma_start3A_37 : memref<10000x128xf32, #tpu.memory_space<hbm>>) target(%dma_start3A_31 : memref<128x128xf32, #tpu.memory_space<vmem>>) offsets(%dma_start3A_34 : memref<128xi32, #tpu.memory_space<vmem>>) semaphore(%arg7 : memref<!tpu.dma_semaphore, #tpu.memory_space<semaphore_mem>>)
    %scan3A = arith.constant 0 : i32
    %scan3A_38 = arith.constant 0 : i32
    %scan3A_39 = arith.constant 66 : i32
    %scan3A_40 = arith.addi %scan3A_38, %scan3A_39 : i32
    %scan3A_41 = arith.constant 1 : i32
    scf.for %scan3A_117 = %scan3A_38 to %scan3A_40 step %scan3A_41  : i32 {
      %rem3A_118 = arith.constant 4 : i32
      %rem3A_119 = arith.remsi %scan3A_117, %rem3A_118 : i32
      %add3A_120 = arith.constant 3 : i32
      %add3A_121 = arith.addi %scan3A_117, %add3A_120 : i32
      %lt3A = arith.constant 66 : i32
      %lt3A_122 = arith.cmpi slt, %add3A_121, %lt3A : i32
      %convert_element_type3A = arith.extui %lt3A_122 : i1 to i32
      %cond3A = arith.constant 0 : i32
      %cond3A_123 = arith.cmpi ne, %convert_element_type3A, %cond3A : i32
      scf.if %cond3A_123 {
        %ge3A = arith.constant 1 : i32
        %ge3A_149 = arith.cmpi sge, %scan3A_117, %ge3A : i32
        %convert_element_type3A_150 = arith.extui %ge3A_149 : i1 to i32
        %cond3A_151 = arith.constant 0 : i32
        %cond3A_152 = arith.cmpi ne, %convert_element_type3A_150, %cond3A_151 : i32
        scf.if %cond3A_152 {
          %add3A_169 = arith.constant 3 : i32
          %add3A_170 = arith.addi %scan3A_117, %add3A_169 : i32
          %rem3A_171 = arith.constant 4 : i32
          %rem3A_172 = arith.remsi %add3A_170, %rem3A_171 : i32
          %add3A_173 = arith.addi %mul3A_2, %scan3A_117 : i32
          %sub3A = arith.constant 1 : i32
          %sub3A_174 = arith.subi %add3A_173, %sub3A : i32
          %mul3A_175 = arith.constant 128 : i32
          %mul3A_176 = arith.muli %sub3A_174, %mul3A_175 : i32
          %dma_wait3A_177 = arith.constant 0 : i32
          %dma_wait3A_178 = arith.constant 0 : i32
          %dma_wait3A_179 = tpu.memref_slice %arg6[%rem3A_172, %dma_wait3A_177, %dma_wait3A_178] : memref<4x128x128xf32, #tpu.memory_space<vmem>> -> memref<1x128x128xf32, #tpu.memory_space<vmem>>
          %dma_wait3A_180 = tpu.memref_squeeze %dma_wait3A_179 : memref<1x128x128xf32, #tpu.memory_space<vmem>> -> memref<128x128xf32, #tpu.memory_space<vmem>>
          %dma_wait3A_181 = arith.constant 0 : i32
          %dma_wait3A_182 = tpu.memref_slice %arg4[%mul3A_176, %dma_wait3A_181] : memref<270336x128xf32, #tpu.memory_space<hbm>> -> memref<128x128xf32, #tpu.memory_space<hbm>>
          %dma_wait3A_183 = arith.constant 0 : i32
          %dma_wait3A_184 = tpu.memref_slice %arg4[%mul3A_176, %dma_wait3A_183] : memref<270336x128xf32, #tpu.memory_space<hbm>> -> memref<128x128xf32, #tpu.memory_space<hbm>>
          %dma_wait3A_185 = arith.constant 0 : i32
          %dma_wait3A_186 = arith.constant 0 : i32
          %dma_wait3A_187 = tpu.memref_slice %arg6[%rem3A_172, %dma_wait3A_185, %dma_wait3A_186] : memref<4x128x128xf32, #tpu.memory_space<vmem>> -> memref<1x128x128xf32, #tpu.memory_space<vmem>>
          %dma_wait3A_188 = tpu.memref_squeeze %dma_wait3A_187 : memref<1x128x128xf32, #tpu.memory_space<vmem>> -> memref<128x128xf32, #tpu.memory_space<vmem>>
          tpu.wait_dma2 semaphore(%arg8 : memref<!tpu.dma_semaphore, #tpu.memory_space<semaphore_mem>>) src(%dma_wait3A_188 : memref<128x128xf32, #tpu.memory_space<vmem>>) dst(%dma_wait3A_184 : memref<128x128xf32, #tpu.memory_space<hbm>>)
        } else {
        }
        %add3A_153 = arith.constant 3 : i32
        %add3A_154 = arith.addi %scan3A_117, %add3A_153 : i32
        %add3A_155 = arith.constant 3 : i32
        %add3A_156 = arith.addi %scan3A_117, %add3A_155 : i32
        %rem3A_157 = arith.constant 4 : i32
        %rem3A_158 = arith.remsi %add3A_156, %rem3A_157 : i32
        %dma_start3A_159 = arith.constant 0 : i32
        %dma_start3A_160 = arith.constant 0 : i32
        %dma_start3A_161 = tpu.memref_slice %arg6[%rem3A_158, %dma_start3A_159, %dma_start3A_160] : memref<4x128x128xf32, #tpu.memory_space<vmem>> -> memref<1x128x128xf32, #tpu.memory_space<vmem>>
        %dma_start3A_162 = tpu.memref_squeeze %dma_start3A_161 : memref<1x128x128xf32, #tpu.memory_space<vmem>> -> memref<128x128xf32, #tpu.memory_space<vmem>>
        %dma_start3A_163 = arith.constant 0 : i32
        %dma_start3A_164 = tpu.memref_slice %arg5[%add3A_154, %dma_start3A_163] : memref<66x128xi32, #tpu.memory_space<vmem>> -> memref<1x128xi32, #tpu.memory_space<vmem>>
        %dma_start3A_165 = tpu.memref_squeeze %dma_start3A_164 : memref<1x128xi32, #tpu.memory_space<vmem>> -> memref<128xi32, #tpu.memory_space<vmem>>
        %dma_start3A_166 = arith.constant 0 : i32
        %dma_start3A_167 = arith.constant 0 : i32
        %dma_start3A_168 = tpu.memref_slice %arg2[%dma_start3A_166, %dma_start3A_167] : memref<10000x128xf32, #tpu.memory_space<hbm>> -> memref<10000x128xf32, #tpu.memory_space<hbm>>
        tpu.enqueue_indirect_dma source(%dma_start3A_168 : memref<10000x128xf32, #tpu.memory_space<hbm>>) target(%dma_start3A_162 : memref<128x128xf32, #tpu.memory_space<vmem>>) offsets(%dma_start3A_165 : memref<128xi32, #tpu.memory_space<vmem>>) semaphore(%arg7 : memref<!tpu.dma_semaphore, #tpu.memory_space<semaphore_mem>>)
      } else {
      }
      %dma_wait3A_124 = arith.constant 0 : i32
      %dma_wait3A_125 = arith.constant 0 : i32
      %dma_wait3A_126 = tpu.memref_slice %arg6[%rem3A_119, %dma_wait3A_124, %dma_wait3A_125] : memref<4x128x128xf32, #tpu.memory_space<vmem>> -> memref<1x128x128xf32, #tpu.memory_space<vmem>>
      %dma_wait3A_127 = tpu.memref_squeeze %dma_wait3A_126 : memref<1x128x128xf32, #tpu.memory_space<vmem>> -> memref<128x128xf32, #tpu.memory_space<vmem>>
      %dma_wait3A_128 = arith.constant 0 : i32
      %dma_wait3A_129 = tpu.memref_slice %arg5[%scan3A_117, %dma_wait3A_128] : memref<66x128xi32, #tpu.memory_space<vmem>> -> memref<1x128xi32, #tpu.memory_space<vmem>>
      %dma_wait3A_130 = tpu.memref_squeeze %dma_wait3A_129 : memref<1x128xi32, #tpu.memory_space<vmem>> -> memref<128xi32, #tpu.memory_space<vmem>>
      %dma_wait3A_131 = arith.constant 0 : i32
      %dma_wait3A_132 = arith.constant 0 : i32
      %dma_wait3A_133 = tpu.memref_slice %arg2[%dma_wait3A_131, %dma_wait3A_132] : memref<10000x128xf32, #tpu.memory_space<hbm>> -> memref<10000x128xf32, #tpu.memory_space<hbm>>
      tpu.wait_indirect_dma semaphore(%arg7 : memref<!tpu.dma_semaphore, #tpu.memory_space<semaphore_mem>>) src(%dma_wait3A_133 : memref<10000x128xf32, #tpu.memory_space<hbm>>) dst(%dma_wait3A_127 : memref<128x128xf32, #tpu.memory_space<vmem>>)
      %add3A_134 = arith.addi %mul3A_2, %scan3A_117 : i32
      %mul3A_135 = arith.constant 128 : i32
      %mul3A_136 = arith.muli %add3A_134, %mul3A_135 : i32
      %dma_start3A_137 = arith.constant 0 : i32
      %dma_start3A_138 = arith.constant 0 : i32
      %dma_start3A_139 = tpu.memref_slice %arg6[%rem3A_119, %dma_start3A_137, %dma_start3A_138] : memref<4x128x128xf32, #tpu.memory_space<vmem>> -> memref<1x128x128xf32, #tpu.memory_space<vmem>>
      %dma_start3A_140 = tpu.memref_squeeze %dma_start3A_139 : memref<1x128x128xf32, #tpu.memory_space<vmem>> -> memref<128x128xf32, #tpu.memory_space<vmem>>
      %dma_start3A_141 = arith.constant 0 : i32
      %dma_start3A_142 = tpu.memref_slice %arg4[%mul3A_136, %dma_start3A_141] : memref<270336x128xf32, #tpu.memory_space<hbm>> -> memref<128x128xf32, #tpu.memory_space<hbm>>
      %dma_start3A_143 = arith.constant 0 : i32
      %dma_start3A_144 = tpu.memref_slice %arg4[%mul3A_136, %dma_start3A_143] : memref<270336x128xf32, #tpu.memory_space<hbm>> -> memref<128x128xf32, #tpu.memory_space<hbm>>
      %dma_start3A_145 = arith.constant 0 : i32
      %dma_start3A_146 = arith.constant 0 : i32
      %dma_start3A_147 = tpu.memref_slice %arg6[%rem3A_119, %dma_start3A_145, %dma_start3A_146] : memref<4x128x128xf32, #tpu.memory_space<vmem>> -> memref<1x128x128xf32, #tpu.memory_space<vmem>>
      %dma_start3A_148 = tpu.memref_squeeze %dma_start3A_147 : memref<1x128x128xf32, #tpu.memory_space<vmem>> -> memref<128x128xf32, #tpu.memory_space<vmem>>
      tpu.enqueue_dma source(%dma_start3A_148 : memref<128x128xf32, #tpu.memory_space<vmem>>) target(%dma_start3A_144 : memref<128x128xf32, #tpu.memory_space<hbm>>) target_semaphore(%arg8 : memref<!tpu.dma_semaphore, #tpu.memory_space<semaphore_mem>>)
    }
    %scan3A_42 = arith.constant 66 : i32
    %rem3A = arith.constant 62 : i32
    %rem3A_43 = arith.constant 4 : i32
    %rem3A_44 = arith.remsi %rem3A, %rem3A_43 : i32
    %add3A_45 = arith.constant 62 : i32
    %add3A_46 = arith.addi %mul3A_2, %add3A_45 : i32
    %mul3A_47 = arith.constant 128 : i32
    %mul3A_48 = arith.muli %add3A_46, %mul3A_47 : i32
    %dma_wait3A = arith.constant 0 : i32
    %dma_wait3A_49 = arith.constant 0 : i32
    %dma_wait3A_50 = tpu.memref_slice %arg6[%rem3A_44, %dma_wait3A, %dma_wait3A_49] : memref<4x128x128xf32, #tpu.memory_space<vmem>> -> memref<1x128x128xf32, #tpu.memory_space<vmem>>
    %dma_wait3A_51 = tpu.memref_squeeze %dma_wait3A_50 : memref<1x128x128xf32, #tpu.memory_space<vmem>> -> memref<128x128xf32, #tpu.memory_space<vmem>>
    %dma_wait3A_52 = arith.constant 0 : i32
    %dma_wait3A_53 = tpu.memref_slice %arg4[%mul3A_48, %dma_wait3A_52] : memref<270336x128xf32, #tpu.memory_space<hbm>> -> memref<128x128xf32, #tpu.memory_space<hbm>>
    %dma_wait3A_54 = arith.constant 0 : i32
    %dma_wait3A_55 = tpu.memref_slice %arg4[%mul3A_48, %dma_wait3A_54] : memref<270336x128xf32, #tpu.memory_space<hbm>> -> memref<128x128xf32, #tpu.memory_space<hbm>>
    %dma_wait3A_56 = arith.constant 0 : i32
    %dma_wait3A_57 = arith.constant 0 : i32
    %dma_wait3A_58 = tpu.memref_slice %arg6[%rem3A_44, %dma_wait3A_56, %dma_wait3A_57] : memref<4x128x128xf32, #tpu.memory_space<vmem>> -> memref<1x128x128xf32, #tpu.memory_space<vmem>>
    %dma_wait3A_59 = tpu.memref_squeeze %dma_wait3A_58 : memref<1x128x128xf32, #tpu.memory_space<vmem>> -> memref<128x128xf32, #tpu.memory_space<vmem>>
    tpu.wait_dma2 semaphore(%arg8 : memref<!tpu.dma_semaphore, #tpu.memory_space<semaphore_mem>>) src(%dma_wait3A_59 : memref<128x128xf32, #tpu.memory_space<vmem>>) dst(%dma_wait3A_55 : memref<128x128xf32, #tpu.memory_space<hbm>>)
    %rem3A_60 = arith.constant 63 : i32
    %rem3A_61 = arith.constant 4 : i32
    %rem3A_62 = arith.remsi %rem3A_60, %rem3A_61 : i32
    %add3A_63 = arith.constant 63 : i32
    %add3A_64 = arith.addi %mul3A_2, %add3A_63 : i32
    %mul3A_65 = arith.constant 128 : i32
    %mul3A_66 = arith.muli %add3A_64, %mul3A_65 : i32
    %dma_wait3A_67 = arith.constant 0 : i32
    %dma_wait3A_68 = arith.constant 0 : i32
    %dma_wait3A_69 = tpu.memref_slice %arg6[%rem3A_62, %dma_wait3A_67, %dma_wait3A_68] : memref<4x128x128xf32, #tpu.memory_space<vmem>> -> memref<1x128x128xf32, #tpu.memory_space<vmem>>
    %dma_wait3A_70 = tpu.memref_squeeze %dma_wait3A_69 : memref<1x128x128xf32, #tpu.memory_space<vmem>> -> memref<128x128xf32, #tpu.memory_space<vmem>>
    %dma_wait3A_71 = arith.constant 0 : i32
    %dma_wait3A_72 = tpu.memref_slice %arg4[%mul3A_66, %dma_wait3A_71] : memref<270336x128xf32, #tpu.memory_space<hbm>> -> memref<128x128xf32, #tpu.memory_space<hbm>>
    %dma_wait3A_73 = arith.constant 0 : i32
    %dma_wait3A_74 = tpu.memref_slice %arg4[%mul3A_66, %dma_wait3A_73] : memref<270336x128xf32, #tpu.memory_space<hbm>> -> memref<128x128xf32, #tpu.memory_space<hbm>>
    %dma_wait3A_75 = arith.constant 0 : i32
    %dma_wait3A_76 = arith.constant 0 : i32
    %dma_wait3A_77 = tpu.memref_slice %arg6[%rem3A_62, %dma_wait3A_75, %dma_wait3A_76] : memref<4x128x128xf32, #tpu.memory_space<vmem>> -> memref<1x128x128xf32, #tpu.memory_space<vmem>>
    %dma_wait3A_78 = tpu.memref_squeeze %dma_wait3A_77 : memref<1x128x128xf32, #tpu.memory_space<vmem>> -> memref<128x128xf32, #tpu.memory_space<vmem>>
    tpu.wait_dma2 semaphore(%arg8 : memref<!tpu.dma_semaphore, #tpu.memory_space<semaphore_mem>>) src(%dma_wait3A_78 : memref<128x128xf32, #tpu.memory_space<vmem>>) dst(%dma_wait3A_74 : memref<128x128xf32, #tpu.memory_space<hbm>>)
    %rem3A_79 = arith.constant 64 : i32
    %rem3A_80 = arith.constant 4 : i32
    %rem3A_81 = arith.remsi %rem3A_79, %rem3A_80 : i32
    %add3A_82 = arith.constant 64 : i32
    %add3A_83 = arith.addi %mul3A_2, %add3A_82 : i32
    %mul3A_84 = arith.constant 128 : i32
    %mul3A_85 = arith.muli %add3A_83, %mul3A_84 : i32
    %dma_wait3A_86 = arith.constant 0 : i32
    %dma_wait3A_87 = arith.constant 0 : i32
    %dma_wait3A_88 = tpu.memref_slice %arg6[%rem3A_81, %dma_wait3A_86, %dma_wait3A_87] : memref<4x128x128xf32, #tpu.memory_space<vmem>> -> memref<1x128x128xf32, #tpu.memory_space<vmem>>
    %dma_wait3A_89 = tpu.memref_squeeze %dma_wait3A_88 : memref<1x128x128xf32, #tpu.memory_space<vmem>> -> memref<128x128xf32, #tpu.memory_space<vmem>>
    %dma_wait3A_90 = arith.constant 0 : i32
    %dma_wait3A_91 = tpu.memref_slice %arg4[%mul3A_85, %dma_wait3A_90] : memref<270336x128xf32, #tpu.memory_space<hbm>> -> memref<128x128xf32, #tpu.memory_space<hbm>>
    %dma_wait3A_92 = arith.constant 0 : i32
    %dma_wait3A_93 = tpu.memref_slice %arg4[%mul3A_85, %dma_wait3A_92] : memref<270336x128xf32, #tpu.memory_space<hbm>> -> memref<128x128xf32, #tpu.memory_space<hbm>>
    %dma_wait3A_94 = arith.constant 0 : i32
    %dma_wait3A_95 = arith.constant 0 : i32
    %dma_wait3A_96 = tpu.memref_slice %arg6[%rem3A_81, %dma_wait3A_94, %dma_wait3A_95] : memref<4x128x128xf32, #tpu.memory_space<vmem>> -> memref<1x128x128xf32, #tpu.memory_space<vmem>>
    %dma_wait3A_97 = tpu.memref_squeeze %dma_wait3A_96 : memref<1x128x128xf32, #tpu.memory_space<vmem>> -> memref<128x128xf32, #tpu.memory_space<vmem>>
    tpu.wait_dma2 semaphore(%arg8 : memref<!tpu.dma_semaphore, #tpu.memory_space<semaphore_mem>>) src(%dma_wait3A_97 : memref<128x128xf32, #tpu.memory_space<vmem>>) dst(%dma_wait3A_93 : memref<128x128xf32, #tpu.memory_space<hbm>>)
    %rem3A_98 = arith.constant 65 : i32
    %rem3A_99 = arith.constant 4 : i32
    %rem3A_100 = arith.remsi %rem3A_98, %rem3A_99 : i32
    %add3A_101 = arith.constant 65 : i32
    %add3A_102 = arith.addi %mul3A_2, %add3A_101 : i32
    %mul3A_103 = arith.constant 128 : i32
    %mul3A_104 = arith.muli %add3A_102, %mul3A_103 : i32
    %dma_wait3A_105 = arith.constant 0 : i32
    %dma_wait3A_106 = arith.constant 0 : i32
    %dma_wait3A_107 = tpu.memref_slice %arg6[%rem3A_100, %dma_wait3A_105, %dma_wait3A_106] : memref<4x128x128xf32, #tpu.memory_space<vmem>> -> memref<1x128x128xf32, #tpu.memory_space<vmem>>
    %dma_wait3A_108 = tpu.memref_squeeze %dma_wait3A_107 : memref<1x128x128xf32, #tpu.memory_space<vmem>> -> memref<128x128xf32, #tpu.memory_space<vmem>>
    %dma_wait3A_109 = arith.constant 0 : i32
    %dma_wait3A_110 = tpu.memref_slice %arg4[%mul3A_104, %dma_wait3A_109] : memref<270336x128xf32, #tpu.memory_space<hbm>> -> memref<128x128xf32, #tpu.memory_space<hbm>>
    %dma_wait3A_111 = arith.constant 0 : i32
    %dma_wait3A_112 = tpu.memref_slice %arg4[%mul3A_104, %dma_wait3A_111] : memref<270336x128xf32, #tpu.memory_space<hbm>> -> memref<128x128xf32, #tpu.memory_space<hbm>>
    %dma_wait3A_113 = arith.constant 0 : i32
    %dma_wait3A_114 = arith.constant 0 : i32
    %dma_wait3A_115 = tpu.memref_slice %arg6[%rem3A_100, %dma_wait3A_113, %dma_wait3A_114] : memref<4x128x128xf32, #tpu.memory_space<vmem>> -> memref<1x128x128xf32, #tpu.memory_space<vmem>>
    %dma_wait3A_116 = tpu.memref_squeeze %dma_wait3A_115 : memref<1x128x128xf32, #tpu.memory_space<vmem>> -> memref<128x128xf32, #tpu.memory_space<vmem>>
    tpu.wait_dma2 semaphore(%arg8 : memref<!tpu.dma_semaphore, #tpu.memory_space<semaphore_mem>>) src(%dma_wait3A_116 : memref<128x128xf32, #tpu.memory_space<vmem>>) dst(%dma_wait3A_112 : memref<128x128xf32, #tpu.memory_space<hbm>>)
    return
  }
}

module attributes {stable_mosaic.version = 14 : i64} {
  func.func @_embed_body(%arg0: memref<2500x3xf32, #tpu.memory_space<vmem>>, %arg1: memref<3x16xf32, #tpu.memory_space<vmem>>, %arg2: memref<16x8xf32, #tpu.memory_space<vmem>>, %arg3: memref<1x8xf32, #tpu.memory_space<vmem>>, %arg4: memref<8x1xf32, #tpu.memory_space<vmem>>, %arg5: memref<1x1xf32, #tpu.memory_space<vmem>>, %arg6: memref<2500x128xf32, #tpu.memory_space<vmem>>) attributes {dimension_semantics = [], scalar_prefetch = 0 : i64, scratch_operands = 0 : i64, tpu.core_type = #tpu.core_type<tc>} {
    %get3A = arith.constant 0 : index
    %get3A_0 = arith.constant 0 : index
    %get3A_1 = vector.load %arg0[%get3A, %get3A_0] : memref<2500x3xf32, #tpu.memory_space<vmem>>, vector<2500x3xf32>
    %get3A_2 = arith.constant 0 : index
    %get3A_3 = arith.constant 0 : index
    %get3A_4 = vector.load %arg1[%get3A_2, %get3A_3] : memref<3x16xf32, #tpu.memory_space<vmem>>, vector<3x16xf32>
    %dot_general3A = arith.constant dense<0.000000e+00> : vector<2500x16xf32>
    %dot_general3A_5 = tpu.matmul %get3A_1, %get3A_4, %dot_general3A {dimension_numbers = #tpu.dot_dimension_numbers<[1], [0], [0], [1], [0, 0, 1, 1], [], []>, transpose_lhs_hint = false} : vector<2500x3xf32>, vector<3x16xf32>, vector<2500x16xf32> -> vector<2500x16xf32>
    %get3A_6 = arith.constant 0 : index
    %get3A_7 = arith.constant 0 : index
    %get3A_8 = vector.load %arg2[%get3A_6, %get3A_7] : memref<16x8xf32, #tpu.memory_space<vmem>>, vector<16x8xf32>
    %dot_general3A_9 = arith.constant dense<0.000000e+00> : vector<2500x8xf32>
    %dot_general3A_10 = tpu.matmul %dot_general3A_5, %get3A_8, %dot_general3A_9 {dimension_numbers = #tpu.dot_dimension_numbers<[1], [0], [0], [1], [0, 0, 1, 1], [], []>, transpose_lhs_hint = false} : vector<2500x16xf32>, vector<16x8xf32>, vector<2500x8xf32> -> vector<2500x8xf32>
    %get3A_11 = arith.constant 0 : index
    %get3A_12 = arith.constant 0 : index
    %get3A_13 = vector.load %arg3[%get3A_11, %get3A_12] : memref<1x8xf32, #tpu.memory_space<vmem>>, vector<1x8xf32>
    %add3A = vector.broadcast %get3A_13 : vector<1x8xf32> to vector<2500x8xf32>
    %add3A_14 = arith.addf %dot_general3A_10, %add3A : vector<2500x8xf32>
    %tanh3A = math.tanh %add3A_14 : vector<2500x8xf32>
    %get3A_15 = arith.constant 0 : index
    %get3A_16 = arith.constant 0 : index
    %get3A_17 = vector.load %arg4[%get3A_15, %get3A_16] : memref<8x1xf32, #tpu.memory_space<vmem>>, vector<8x1xf32>
    %dot_general3A_18 = arith.constant dense<0.000000e+00> : vector<2500x1xf32>
    %dot_general3A_19 = tpu.matmul %tanh3A, %get3A_17, %dot_general3A_18 {dimension_numbers = #tpu.dot_dimension_numbers<[1], [0], [0], [1], [0, 0, 1, 1], [], []>, transpose_lhs_hint = false} : vector<2500x8xf32>, vector<8x1xf32>, vector<2500x1xf32> -> vector<2500x1xf32>
    %get3A_20 = arith.constant 0 : index
    %get3A_21 = arith.constant 0 : index
    %get3A_22 = vector.load %arg5[%get3A_20, %get3A_21] : memref<1x1xf32, #tpu.memory_space<vmem>>, vector<1x1xf32>
    %add3A_23 = vector.broadcast %get3A_22 : vector<1x1xf32> to vector<2500x1xf32>
    %add3A_24 = arith.addf %dot_general3A_19, %add3A_23 : vector<2500x1xf32>
    %broadcast_in_dim3A = arith.constant 0.000000e+00 : f32
    %broadcast_in_dim3A_25 = vector.broadcast %broadcast_in_dim3A : f32 to vector<2500x111xf32>
    %concatenate3A = tpu.concatenate %dot_general3A_5, %add3A_24, %broadcast_in_dim3A_25 in 1 : vector<2500x16xf32>, vector<2500x1xf32>, vector<2500x111xf32> -> vector<2500x128xf32>
    %swap3A = arith.constant 0 : index
    %swap3A_26 = arith.constant 0 : index
    %swap3A_27 = vector.load %arg6[%swap3A, %swap3A_26] : memref<2500x128xf32, #tpu.memory_space<vmem>>, vector<2500x128xf32>
    tpu.vector_store %arg6[%swap3A, %swap3A_26], %concatenate3A {strides = array<i32>} : memref<2500x128xf32, #tpu.memory_space<vmem>>, vector<2500x128xf32>,
    return
  }
}

module attributes {stable_mosaic.version = 14 : i64} {
  func.func @_topk_body(%arg0: i32, %arg1: memref<256x3xf32, #tpu.memory_space<vmem>>, %arg2: memref<3x10240xf32, #tpu.memory_space<vmem>>, %arg3: memref<256x32xi32, #tpu.memory_space<vmem>>) attributes {dimension_semantics = [#tpu.dimension_semantics<arbitrary>], iteration_bounds = array<i64: 40>, scalar_prefetch = 0 : i64, scratch_operands = 0 : i64, tpu.core_type = #tpu.core_type<tc>, window_params = [{transform_indices = @transform_0, window_bounds = array<i64: 256, 3>}, {pipeline_mode = #tpu.pipeline_mode<synchronous>, transform_indices = @transform_1, window_bounds = array<i64: 3, 10240>}, {transform_indices = @transform_2, window_bounds = array<i64: 256, 32>}]} {
    %get3A = arith.constant 0 : index
    %get3A_0 = arith.constant 0 : index
    %get3A_1 = vector.load %arg1[%get3A, %get3A_0] : memref<256x3xf32, #tpu.memory_space<vmem>>, vector<256x3xf32>
    %get3A_2 = arith.constant 0 : index
    %get3A_3 = arith.constant 0 : index
    %get3A_4 = vector.load %arg2[%get3A_2, %get3A_3] : memref<3x10240xf32, #tpu.memory_space<vmem>>, vector<3x10240xf32>
    %mul3A = arith.mulf %get3A_4, %get3A_4 : vector<3x10240xf32>
    %reduce_sum3A = arith.constant dense<0.000000e+00> : vector<10240xf32>
    %reduce_sum3A_5 = vector.multi_reduction <add>, %mul3A, %reduce_sum3A [0] : vector<3x10240xf32> to vector<10240xf32>
    %broadcast_in_dim3A = vector.shape_cast %reduce_sum3A_5 : vector<10240xf32> to vector<1x10240xf32>
    %mul3A_6 = arith.mulf %get3A_1, %get3A_1 : vector<256x3xf32>
    %reduce_sum3A_7 = arith.constant dense<0.000000e+00> : vector<256xf32>
    %reduce_sum3A_8 = vector.multi_reduction <add>, %mul3A_6, %reduce_sum3A_7 [1] : vector<256x3xf32> to vector<256xf32>
    %broadcast_in_dim3A_9 = vector.shape_cast %reduce_sum3A_8 : vector<256xf32> to vector<256x1xf32>
    %dot_general3A = arith.constant dense<0.000000e+00> : vector<256x10240xf32>
    %dot_general3A_10 = tpu.matmul %get3A_1, %get3A_4, %dot_general3A {dimension_numbers = #tpu.dot_dimension_numbers<[1], [0], [0], [1], [0, 0, 1, 1], [], []>, transpose_lhs_hint = false} : vector<256x3xf32>, vector<3x10240xf32>, vector<256x10240xf32> -> vector<256x10240xf32>
    %mul3A_11 = arith.constant 2.000000e+00 : f32
    %mul3A_12 = vector.broadcast %mul3A_11 : f32 to vector<256x10240xf32>
    %mul3A_13 = arith.mulf %mul3A_12, %dot_general3A_10 : vector<256x10240xf32>
    %sub3A = vector.broadcast %broadcast_in_dim3A_9 : vector<256x1xf32> to vector<256x10240xf32>
    %sub3A_14 = arith.subf %sub3A, %mul3A_13 : vector<256x10240xf32>
    %add3A = vector.broadcast %broadcast_in_dim3A : vector<1x10240xf32> to vector<256x10240xf32>
    %add3A_15 = arith.addf %sub3A_14, %add3A : vector<256x10240xf32>
    %reshape3A = vector.shape_cast %add3A_15 : vector<256x10240xf32> to vector<256x80x128xf32>
    %iota3A = tpu.iota {dimensions = array<i32: 1>} : vector<1x80x128xi32>
    %mul3A_16 = arith.constant 128 : i32
    %mul3A_17 = vector.broadcast %mul3A_16 : i32 to vector<1x80x128xi32>
    %mul3A_18 = arith.muli %iota3A, %mul3A_17 : vector<1x80x128xi32>
    %iota3A_19 = tpu.iota {dimensions = array<i32: 2>} : vector<1x80x128xi32>
    %add3A_20 = arith.addi %mul3A_18, %iota3A_19 : vector<1x80x128xi32>
    %convert_element_type3A = arith.sitofp %add3A_20 : vector<1x80x128xi32> to vector<1x80x128xf32>
    %reduce_min3A = arith.constant dense<0x7F800000> : vector<256x128xf32>
    %reduce_min3A_21 = vector.multi_reduction <minimumf>, %reshape3A, %reduce_min3A [1] : vector<256x80x128xf32> to vector<256x128xf32>
    %broadcast_in_dim3A_22 = vector.shape_cast %reduce_min3A_21 : vector<256x128xf32> to vector<256x1x128xf32>
    %eq3A = vector.broadcast %broadcast_in_dim3A_22 : vector<256x1x128xf32> to vector<256x80x128xf32>
    %eq3A_23 = arith.cmpf oeq, %reshape3A, %eq3A : vector<256x80x128xf32>
    %jit3A = arith.constant 1.000000e+30 : f32
    %broadcast_in_dim3A_24 = vector.shape_cast %convert_element_type3A : vector<1x80x128xf32> to vector<1x80x128xf32>
    %broadcast_in_dim3A_25 = vector.broadcast %broadcast_in_dim3A_24 : vector<1x80x128xf32> to vector<256x80x128xf32>
    %broadcast_in_dim3A_26 = vector.broadcast %jit3A : f32 to vector<256x80x128xf32>
    %select_n3A = arith.select %eq3A_23, %broadcast_in_dim3A_25, %broadcast_in_dim3A_26 : vector<256x80x128xi1>, vector<256x80x128xf32>
    %reduce_min3A_27 = arith.constant dense<0x7F800000> : vector<256x128xf32>
    %reduce_min3A_28 = vector.multi_reduction <minimumf>, %select_n3A, %reduce_min3A_27 [1] : vector<256x80x128xf32> to vector<256x128xf32>
    %broadcast_in_dim3A_29 = vector.shape_cast %reduce_min3A_28 : vector<256x128xf32> to vector<256x1x128xf32>
    %reshape3A_30 = vector.shape_cast %broadcast_in_dim3A_22 : vector<256x1x128xf32> to vector<256x128xf32>
    %reshape3A_31 = vector.shape_cast %broadcast_in_dim3A_29 : vector<256x1x128xf32> to vector<256x128xf32>
    %eq3A_32 = vector.broadcast %convert_element_type3A : vector<1x80x128xf32> to vector<256x80x128xf32>
    %eq3A_33 = vector.broadcast %broadcast_in_dim3A_29 : vector<256x1x128xf32> to vector<256x80x128xf32>
    %eq3A_34 = arith.cmpf oeq, %eq3A_32, %eq3A_33 : vector<256x80x128xf32>
    %jit3A_35 = arith.constant 1.000000e+30 : f32
    %broadcast_in_dim3A_36 = vector.broadcast %jit3A_35 : f32 to vector<256x80x128xf32>
    %select_n3A_37 = arith.select %eq3A_34, %broadcast_in_dim3A_36, %reshape3A : vector<256x80x128xi1>, vector<256x80x128xf32>
    %reduce_min3A_38 = arith.constant dense<0x7F800000> : vector<256x128xf32>
    %reduce_min3A_39 = vector.multi_reduction <minimumf>, %select_n3A_37, %reduce_min3A_38 [1] : vector<256x80x128xf32> to vector<256x128xf32>
    %broadcast_in_dim3A_40 = vector.shape_cast %reduce_min3A_39 : vector<256x128xf32> to vector<256x1x128xf32>
    %eq3A_41 = vector.broadcast %broadcast_in_dim3A_40 : vector<256x1x128xf32> to vector<256x80x128xf32>
    %eq3A_42 = arith.cmpf oeq, %select_n3A_37, %eq3A_41 : vector<256x80x128xf32>
    %jit3A_43 = arith.constant 1.000000e+30 : f32
    %broadcast_in_dim3A_44 = vector.shape_cast %convert_element_type3A : vector<1x80x128xf32> to vector<1x80x128xf32>
    %broadcast_in_dim3A_45 = vector.broadcast %broadcast_in_dim3A_44 : vector<1x80x128xf32> to vector<256x80x128xf32>
    %broadcast_in_dim3A_46 = vector.broadcast %jit3A_43 : f32 to vector<256x80x128xf32>
    %select_n3A_47 = arith.select %eq3A_42, %broadcast_in_dim3A_45, %broadcast_in_dim3A_46 : vector<256x80x128xi1>, vector<256x80x128xf32>
    %reduce_min3A_48 = arith.constant dense<0x7F800000> : vector<256x128xf32>
    %reduce_min3A_49 = vector.multi_reduction <minimumf>, %select_n3A_47, %reduce_min3A_48 [1] : vector<256x80x128xf32> to vector<256x128xf32>
    %broadcast_in_dim3A_50 = vector.shape_cast %reduce_min3A_49 : vector<256x128xf32> to vector<256x1x128xf32>
    %reshape3A_51 = vector.shape_cast %broadcast_in_dim3A_40 : vector<256x1x128xf32> to vector<256x128xf32>
    %reshape3A_52 = vector.shape_cast %broadcast_in_dim3A_50 : vector<256x1x128xf32> to vector<256x128xf32>
    %eq3A_53 = vector.broadcast %convert_element_type3A : vector<1x80x128xf32> to vector<256x80x128xf32>
    %eq3A_54 = vector.broadcast %broadcast_in_dim3A_50 : vector<256x1x128xf32> to vector<256x80x128xf32>
    %eq3A_55 = arith.cmpf oeq, %eq3A_53, %eq3A_54 : vector<256x80x128xf32>
    %jit3A_56 = arith.constant 1.000000e+30 : f32
    %broadcast_in_dim3A_57 = vector.broadcast %jit3A_56 : f32 to vector<256x80x128xf32>
    %select_n3A_58 = arith.select %eq3A_55, %broadcast_in_dim3A_57, %select_n3A_37 : vector<256x80x128xi1>, vector<256x80x128xf32>
    %reduce_min3A_59 = arith.constant dense<0x7F800000> : vector<256x128xf32>
    %reduce_min3A_60 = vector.multi_reduction <minimumf>, %select_n3A_58, %reduce_min3A_59 [1] : vector<256x80x128xf32> to vector<256x128xf32>
    %broadcast_in_dim3A_61 = vector.shape_cast %reduce_min3A_60 : vector<256x128xf32> to vector<256x1x128xf32>
    %eq3A_62 = vector.broadcast %broadcast_in_dim3A_61 : vector<256x1x128xf32> to vector<256x80x128xf32>
    %eq3A_63 = arith.cmpf oeq, %select_n3A_58, %eq3A_62 : vector<256x80x128xf32>
    %jit3A_64 = arith.constant 1.000000e+30 : f32
    %broadcast_in_dim3A_65 = vector.shape_cast %convert_element_type3A : vector<1x80x128xf32> to vector<1x80x128xf32>
    %broadcast_in_dim3A_66 = vector.broadcast %broadcast_in_dim3A_65 : vector<1x80x128xf32> to vector<256x80x128xf32>
    %broadcast_in_dim3A_67 = vector.broadcast %jit3A_64 : f32 to vector<256x80x128xf32>
    %select_n3A_68 = arith.select %eq3A_63, %broadcast_in_dim3A_66, %broadcast_in_dim3A_67 : vector<256x80x128xi1>, vector<256x80x128xf32>
    %reduce_min3A_69 = arith.constant dense<0x7F800000> : vector<256x128xf32>
    %reduce_min3A_70 = vector.multi_reduction <minimumf>, %select_n3A_68, %reduce_min3A_69 [1] : vector<256x80x128xf32> to vector<256x128xf32>
    %broadcast_in_dim3A_71 = vector.shape_cast %reduce_min3A_70 : vector<256x128xf32> to vector<256x1x128xf32>
    %reshape3A_72 = vector.shape_cast %broadcast_in_dim3A_61 : vector<256x1x128xf32> to vector<256x128xf32>
    %reshape3A_73 = vector.shape_cast %broadcast_in_dim3A_71 : vector<256x1x128xf32> to vector<256x128xf32>
    %eq3A_74 = vector.broadcast %convert_element_type3A : vector<1x80x128xf32> to vector<256x80x128xf32>
    %eq3A_75 = vector.broadcast %broadcast_in_dim3A_71 : vector<256x1x128xf32> to vector<256x80x128xf32>
    %eq3A_76 = arith.cmpf oeq, %eq3A_74, %eq3A_75 : vector<256x80x128xf32>
    %jit3A_77 = arith.constant 1.000000e+30 : f32
    %broadcast_in_dim3A_78 = vector.broadcast %jit3A_77 : f32 to vector<256x80x128xf32>
    %select_n3A_79 = arith.select %eq3A_76, %broadcast_in_dim3A_78, %select_n3A_58 : vector<256x80x128xi1>, vector<256x80x128xf32>
    %reduce_min3A_80 = arith.constant dense<0x7F800000> : vector<256x128xf32>
    %reduce_min3A_81 = vector.multi_reduction <minimumf>, %select_n3A_79, %reduce_min3A_80 [1] : vector<256x80x128xf32> to vector<256x128xf32>
    %broadcast_in_dim3A_82 = vector.shape_cast %reduce_min3A_81 : vector<256x128xf32> to vector<256x1x128xf32>
    %eq3A_83 = vector.broadcast %broadcast_in_dim3A_82 : vector<256x1x128xf32> to vector<256x80x128xf32>
    %eq3A_84 = arith.cmpf oeq, %select_n3A_79, %eq3A_83 : vector<256x80x128xf32>
    %jit3A_85 = arith.constant 1.000000e+30 : f32
    %broadcast_in_dim3A_86 = vector.shape_cast %convert_element_type3A : vector<1x80x128xf32> to vector<1x80x128xf32>
    %broadcast_in_dim3A_87 = vector.broadcast %broadcast_in_dim3A_86 : vector<1x80x128xf32> to vector<256x80x128xf32>
    %broadcast_in_dim3A_88 = vector.broadcast %jit3A_85 : f32 to vector<256x80x128xf32>
    %select_n3A_89 = arith.select %eq3A_84, %broadcast_in_dim3A_87, %broadcast_in_dim3A_88 : vector<256x80x128xi1>, vector<256x80x128xf32>
    %reduce_min3A_90 = arith.constant dense<0x7F800000> : vector<256x128xf32>
    %reduce_min3A_91 = vector.multi_reduction <minimumf>, %select_n3A_89, %reduce_min3A_90 [1] : vector<256x80x128xf32> to vector<256x128xf32>
    %broadcast_in_dim3A_92 = vector.shape_cast %reduce_min3A_91 : vector<256x128xf32> to vector<256x1x128xf32>
    %reshape3A_93 = vector.shape_cast %broadcast_in_dim3A_82 : vector<256x1x128xf32> to vector<256x128xf32>
    %reshape3A_94 = vector.shape_cast %broadcast_in_dim3A_92 : vector<256x1x128xf32> to vector<256x128xf32>
    %concatenate3A = tpu.concatenate %reshape3A_30, %reshape3A_51, %reshape3A_72, %reshape3A_93 in 1 : vector<256x128xf32>, vector<256x128xf32>, vector<256x128xf32>, vector<256x128xf32> -> vector<256x512xf32>
    %concatenate3A_95 = tpu.concatenate %reshape3A_31, %reshape3A_52, %reshape3A_73, %reshape3A_94 in 1 : vector<256x128xf32>, vector<256x128xf32>, vector<256x128xf32>, vector<256x128xf32> -> vector<256x512xf32>
    %reduce_min3A_96 = arith.constant dense<0x7F800000> : vector<256xf32>
    %reduce_min3A_97 = vector.multi_reduction <minimumf>, %concatenate3A, %reduce_min3A_96 [1] : vector<256x512xf32> to vector<256xf32>
    %broadcast_in_dim3A_98 = vector.shape_cast %reduce_min3A_97 : vector<256xf32> to vector<256x1xf32>
    %eq3A_99 = vector.broadcast %broadcast_in_dim3A_98 : vector<256x1xf32> to vector<256x512xf32>
    %eq3A_100 = arith.cmpf oeq, %concatenate3A, %eq3A_99 : vector<256x512xf32>
    %jit3A_101 = arith.constant 1.000000e+30 : f32
    %broadcast_in_dim3A_102 = vector.broadcast %jit3A_101 : f32 to vector<256x512xf32>
    %select_n3A_103 = arith.select %eq3A_100, %concatenate3A_95, %broadcast_in_dim3A_102 : vector<256x512xi1>, vector<256x512xf32>
    %reduce_min3A_104 = arith.constant dense<0x7F800000> : vector<256xf32>
    %reduce_min3A_105 = vector.multi_reduction <minimumf>, %select_n3A_103, %reduce_min3A_104 [1] : vector<256x512xf32> to vector<256xf32>
    %broadcast_in_dim3A_106 = vector.shape_cast %reduce_min3A_105 : vector<256xf32> to vector<256x1xf32>
    %eq3A_107 = vector.broadcast %broadcast_in_dim3A_106 : vector<256x1xf32> to vector<256x512xf32>
    %eq3A_108 = arith.cmpf oeq, %concatenate3A_95, %eq3A_107 : vector<256x512xf32>
    %jit3A_109 = arith.constant 1.000000e+30 : f32
    %broadcast_in_dim3A_110 = vector.broadcast %jit3A_109 : f32 to vector<256x512xf32>
    %select_n3A_111 = arith.select %eq3A_108, %broadcast_in_dim3A_110, %concatenate3A : vector<256x512xi1>, vector<256x512xf32>
    %reduce_min3A_112 = arith.constant dense<0x7F800000> : vector<256xf32>
    %reduce_min3A_113 = vector.multi_reduction <minimumf>, %select_n3A_111, %reduce_min3A_112 [1] : vector<256x512xf32> to vector<256xf32>
    %broadcast_in_dim3A_114 = vector.shape_cast %reduce_min3A_113 : vector<256xf32> to vector<256x1xf32>
    %eq3A_115 = vector.broadcast %broadcast_in_dim3A_114 : vector<256x1xf32> to vector<256x512xf32>
    %eq3A_116 = arith.cmpf oeq, %select_n3A_111, %eq3A_115 : vector<256x512xf32>
    %jit3A_117 = arith.constant 1.000000e+30 : f32
    %broadcast_in_dim3A_118 = vector.broadcast %jit3A_117 : f32 to vector<256x512xf32>
    %select_n3A_119 = arith.select %eq3A_116, %concatenate3A_95, %broadcast_in_dim3A_118 : vector<256x512xi1>, vector<256x512xf32>
    %reduce_min3A_120 = arith.constant dense<0x7F800000> : vector<256xf32>
    %reduce_min3A_121 = vector.multi_reduction <minimumf>, %select_n3A_119, %reduce_min3A_120 [1] : vector<256x512xf32> to vector<256xf32>
    %broadcast_in_dim3A_122 = vector.shape_cast %reduce_min3A_121 : vector<256xf32> to vector<256x1xf32>
    %eq3A_123 = vector.broadcast %broadcast_in_dim3A_122 : vector<256x1xf32> to vector<256x512xf32>
    %eq3A_124 = arith.cmpf oeq, %concatenate3A_95, %eq3A_123 : vector<256x512xf32>
    %jit3A_125 = arith.constant 1.000000e+30 : f32
    %broadcast_in_dim3A_126 = vector.broadcast %jit3A_125 : f32 to vector<256x512xf32>
    %select_n3A_127 = arith.select %eq3A_124, %broadcast_in_dim3A_126, %select_n3A_111 : vector<256x512xi1>, vector<256x512xf32>
    %reduce_min3A_128 = arith.constant dense<0x7F800000> : vector<256xf32>
    %reduce_min3A_129 = vector.multi_reduction <minimumf>, %select_n3A_127, %reduce_min3A_128 [1] : vector<256x512xf32> to vector<256xf32>
    %broadcast_in_dim3A_130 = vector.shape_cast %reduce_min3A_129 : vector<256xf32> to vector<256x1xf32>
    %eq3A_131 = vector.broadcast %broadcast_in_dim3A_130 : vector<256x1xf32> to vector<256x512xf32>
    %eq3A_132 = arith.cmpf oeq, %select_n3A_127, %eq3A_131 : vector<256x512xf32>
    %jit3A_133 = arith.constant 1.000000e+30 : f32
    %broadcast_in_dim3A_134 = vector.broadcast %jit3A_133 : f32 to vector<256x512xf32>
    %select_n3A_135 = arith.select %eq3A_132, %concatenate3A_95, %broadcast_in_dim3A_134 : vector<256x512xi1>, vector<256x512xf32>
    %reduce_min3A_136 = arith.constant dense<0x7F800000> : vector<256xf32>
    %reduce_min3A_137 = vector.multi_reduction <minimumf>, %select_n3A_135, %reduce_min3A_136 [1] : vector<256x512xf32> to vector<256xf32>
    %broadcast_in_dim3A_138 = vector.shape_cast %reduce_min3A_137 : vector<256xf32> to vector<256x1xf32>
    %eq3A_139 = vector.broadcast %broadcast_in_dim3A_138 : vector<256x1xf32> to vector<256x512xf32>
    %eq3A_140 = arith.cmpf oeq, %concatenate3A_95, %eq3A_139 : vector<256x512xf32>
    %jit3A_141 = arith.constant 1.000000e+30 : f32
    %broadcast_in_dim3A_142 = vector.broadcast %jit3A_141 : f32 to vector<256x512xf32>
    %select_n3A_143 = arith.select %eq3A_140, %broadcast_in_dim3A_142, %select_n3A_127 : vector<256x512xi1>, vector<256x512xf32>
    %reduce_min3A_144 = arith.constant dense<0x7F800000> : vector<256xf32>
    %reduce_min3A_145 = vector.multi_reduction <minimumf>, %select_n3A_143, %reduce_min3A_144 [1] : vector<256x512xf32> to vector<256xf32>
    %broadcast_in_dim3A_146 = vector.shape_cast %reduce_min3A_145 : vector<256xf32> to vector<256x1xf32>
    %eq3A_147 = vector.broadcast %broadcast_in_dim3A_146 : vector<256x1xf32> to vector<256x512xf32>
    %eq3A_148 = arith.cmpf oeq, %select_n3A_143, %eq3A_147 : vector<256x512xf32>
    %jit3A_149 = arith.constant 1.000000e+30 : f32
    %broadcast_in_dim3A_150 = vector.broadcast %jit3A_149 : f32 to vector<256x512xf32>
    %select_n3A_151 = arith.select %eq3A_148, %concatenate3A_95, %broadcast_in_dim3A_150 : vector<256x512xi1>, vector<256x512xf32>
    %reduce_min3A_152 = arith.constant dense<0x7F800000> : vector<256xf32>
    %reduce_min3A_153 = vector.multi_reduction <minimumf>, %select_n3A_151, %reduce_min3A_152 [1] : vector<256x512xf32> to vector<256xf32>
    %broadcast_in_dim3A_154 = vector.shape_cast %reduce_min3A_153 : vector<256xf32> to vector<256x1xf32>
    %eq3A_155 = vector.broadcast %broadcast_in_dim3A_154 : vector<256x1xf32> to vector<256x512xf32>
    %eq3A_156 = arith.cmpf oeq, %concatenate3A_95, %eq3A_155 : vector<256x512xf32>
    %jit3A_157 = arith.constant 1.000000e+30 : f32
    %broadcast_in_dim3A_158 = vector.broadcast %jit3A_157 : f32 to vector<256x512xf32>
    %select_n3A_159 = arith.select %eq3A_156, %broadcast_in_dim3A_158, %select_n3A_143 : vector<256x512xi1>, vector<256x512xf32>
    %reduce_min3A_160 = arith.constant dense<0x7F800000> : vector<256xf32>
    %reduce_min3A_161 = vector.multi_reduction <minimumf>, %select_n3A_159, %reduce_min3A_160 [1] : vector<256x512xf32> to vector<256xf32>
    %broadcast_in_dim3A_162 = vector.shape_cast %reduce_min3A_161 : vector<256xf32> to vector<256x1xf32>
    %eq3A_163 = vector.broadcast %broadcast_in_dim3A_162 : vector<256x1xf32> to vector<256x512xf32>
    %eq3A_164 = arith.cmpf oeq, %select_n3A_159, %eq3A_163 : vector<256x512xf32>
    %jit3A_165 = arith.constant 1.000000e+30 : f32
    %broadcast_in_dim3A_166 = vector.broadcast %jit3A_165 : f32 to vector<256x512xf32>
    %select_n3A_167 = arith.select %eq3A_164, %concatenate3A_95, %broadcast_in_dim3A_166 : vector<256x512xi1>, vector<256x512xf32>
    %reduce_min3A_168 = arith.constant dense<0x7F800000> : vector<256xf32>
    %reduce_min3A_169 = vector.multi_reduction <minimumf>, %select_n3A_167, %reduce_min3A_168 [1] : vector<256x512xf32> to vector<256xf32>
    %broadcast_in_dim3A_170 = vector.shape_cast %reduce_min3A_169 : vector<256xf32> to vector<256x1xf32>
    %eq3A_171 = vector.broadcast %broadcast_in_dim3A_170 : vector<256x1xf32> to vector<256x512xf32>
    %eq3A_172 = arith.cmpf oeq, %concatenate3A_95, %eq3A_171 : vector<256x512xf32>
    %jit3A_173 = arith.constant 1.000000e+30 : f32
    %broadcast_in_dim3A_174 = vector.broadcast %jit3A_173 : f32 to vector<256x512xf32>
    %select_n3A_175 = arith.select %eq3A_172, %broadcast_in_dim3A_174, %select_n3A_159 : vector<256x512xi1>, vector<256x512xf32>
    %reduce_min3A_176 = arith.constant dense<0x7F800000> : vector<256xf32>
    %reduce_min3A_177 = vector.multi_reduction <minimumf>, %select_n3A_175, %reduce_min3A_176 [1] : vector<256x512xf32> to vector<256xf32>
    %broadcast_in_dim3A_178 = vector.shape_cast %reduce_min3A_177 : vector<256xf32> to vector<256x1xf32>
    %eq3A_179 = vector.broadcast %broadcast_in_dim3A_178 : vector<256x1xf32> to vector<256x512xf32>
    %eq3A_180 = arith.cmpf oeq, %select_n3A_175, %eq3A_179 : vector<256x512xf32>
    %jit3A_181 = arith.constant 1.000000e+30 : f32
    %broadcast_in_dim3A_182 = vector.broadcast %jit3A_181 : f32 to vector<256x512xf32>
    %select_n3A_183 = arith.select %eq3A_180, %concatenate3A_95, %broadcast_in_dim3A_182 : vector<256x512xi1>, vector<256x512xf32>
    %reduce_min3A_184 = arith.constant dense<0x7F800000> : vector<256xf32>
    %reduce_min3A_185 = vector.multi_reduction <minimumf>, %select_n3A_183, %reduce_min3A_184 [1] : vector<256x512xf32> to vector<256xf32>
    %broadcast_in_dim3A_186 = vector.shape_cast %reduce_min3A_185 : vector<256xf32> to vector<256x1xf32>
    %eq3A_187 = vector.broadcast %broadcast_in_dim3A_186 : vector<256x1xf32> to vector<256x512xf32>
    %eq3A_188 = arith.cmpf oeq, %concatenate3A_95, %eq3A_187 : vector<256x512xf32>
    %jit3A_189 = arith.constant 1.000000e+30 : f32
    %broadcast_in_dim3A_190 = vector.broadcast %jit3A_189 : f32 to vector<256x512xf32>
    %select_n3A_191 = arith.select %eq3A_188, %broadcast_in_dim3A_190, %select_n3A_175 : vector<256x512xi1>, vector<256x512xf32>
    %reduce_min3A_192 = arith.constant dense<0x7F800000> : vector<256xf32>
    %reduce_min3A_193 = vector.multi_reduction <minimumf>, %select_n3A_191, %reduce_min3A_192 [1] : vector<256x512xf32> to vector<256xf32>
    %broadcast_in_dim3A_194 = vector.shape_cast %reduce_min3A_193 : vector<256xf32> to vector<256x1xf32>
    %eq3A_195 = vector.broadcast %broadcast_in_dim3A_194 : vector<256x1xf32> to vector<256x512xf32>
    %eq3A_196 = arith.cmpf oeq, %select_n3A_191, %eq3A_195 : vector<256x512xf32>
    %jit3A_197 = arith.constant 1.000000e+30 : f32
    %broadcast_in_dim3A_198 = vector.broadcast %jit3A_197 : f32 to vector<256x512xf32>
    %select_n3A_199 = arith.select %eq3A_196, %concatenate3A_95, %broadcast_in_dim3A_198 : vector<256x512xi1>, vector<256x512xf32>
    %reduce_min3A_200 = arith.constant dense<0x7F800000> : vector<256xf32>
    %reduce_min3A_201 = vector.multi_reduction <minimumf>, %select_n3A_199, %reduce_min3A_200 [1] : vector<256x512xf32> to vector<256xf32>
    %broadcast_in_dim3A_202 = vector.shape_cast %reduce_min3A_201 : vector<256xf32> to vector<256x1xf32>
    %eq3A_203 = vector.broadcast %broadcast_in_dim3A_202 : vector<256x1xf32> to vector<256x512xf32>
    %eq3A_204 = arith.cmpf oeq, %concatenate3A_95, %eq3A_203 : vector<256x512xf32>
    %jit3A_205 = arith.constant 1.000000e+30 : f32
    %broadcast_in_dim3A_206 = vector.broadcast %jit3A_205 : f32 to vector<256x512xf32>
    %select_n3A_207 = arith.select %eq3A_204, %broadcast_in_dim3A_206, %select_n3A_191 : vector<256x512xi1>, vector<256x512xf32>
    %reduce_min3A_208 = arith.constant dense<0x7F800000> : vector<256xf32>
    %reduce_min3A_209 = vector.multi_reduction <minimumf>, %select_n3A_207, %reduce_min3A_208 [1] : vector<256x512xf32> to vector<256xf32>
    %broadcast_in_dim3A_210 = vector.shape_cast %reduce_min3A_209 : vector<256xf32> to vector<256x1xf32>
    %eq3A_211 = vector.broadcast %broadcast_in_dim3A_210 : vector<256x1xf32> to vector<256x512xf32>
    %eq3A_212 = arith.cmpf oeq, %select_n3A_207, %eq3A_211 : vector<256x512xf32>
    %jit3A_213 = arith.constant 1.000000e+30 : f32
    %broadcast_in_dim3A_214 = vector.broadcast %jit3A_213 : f32 to vector<256x512xf32>
    %select_n3A_215 = arith.select %eq3A_212, %concatenate3A_95, %broadcast_in_dim3A_214 : vector<256x512xi1>, vector<256x512xf32>
    %reduce_min3A_216 = arith.constant dense<0x7F800000> : vector<256xf32>
    %reduce_min3A_217 = vector.multi_reduction <minimumf>, %select_n3A_215, %reduce_min3A_216 [1] : vector<256x512xf32> to vector<256xf32>
    %broadcast_in_dim3A_218 = vector.shape_cast %reduce_min3A_217 : vector<256xf32> to vector<256x1xf32>
    %eq3A_219 = vector.broadcast %broadcast_in_dim3A_218 : vector<256x1xf32> to vector<256x512xf32>
    %eq3A_220 = arith.cmpf oeq, %concatenate3A_95, %eq3A_219 : vector<256x512xf32>
    %jit3A_221 = arith.constant 1.000000e+30 : f32
    %broadcast_in_dim3A_222 = vector.broadcast %jit3A_221 : f32 to vector<256x512xf32>
    %select_n3A_223 = arith.select %eq3A_220, %broadcast_in_dim3A_222, %select_n3A_207 : vector<256x512xi1>, vector<256x512xf32>
    %reduce_min3A_224 = arith.constant dense<0x7F800000> : vector<256xf32>
    %reduce_min3A_225 = vector.multi_reduction <minimumf>, %select_n3A_223, %reduce_min3A_224 [1] : vector<256x512xf32> to vector<256xf32>
    %broadcast_in_dim3A_226 = vector.shape_cast %reduce_min3A_225 : vector<256xf32> to vector<256x1xf32>
    %eq3A_227 = vector.broadcast %broadcast_in_dim3A_226 : vector<256x1xf32> to vector<256x512xf32>
    %eq3A_228 = arith.cmpf oeq, %select_n3A_223, %eq3A_227 : vector<256x512xf32>
    %jit3A_229 = arith.constant 1.000000e+30 : f32
    %broadcast_in_dim3A_230 = vector.broadcast %jit3A_229 : f32 to vector<256x512xf32>
    %select_n3A_231 = arith.select %eq3A_228, %concatenate3A_95, %broadcast_in_dim3A_230 : vector<256x512xi1>, vector<256x512xf32>
    %reduce_min3A_232 = arith.constant dense<0x7F800000> : vector<256xf32>
    %reduce_min3A_233 = vector.multi_reduction <minimumf>, %select_n3A_231, %reduce_min3A_232 [1] : vector<256x512xf32> to vector<256xf32>
    %broadcast_in_dim3A_234 = vector.shape_cast %reduce_min3A_233 : vector<256xf32> to vector<256x1xf32>
    %eq3A_235 = vector.broadcast %broadcast_in_dim3A_234 : vector<256x1xf32> to vector<256x512xf32>
    %eq3A_236 = arith.cmpf oeq, %concatenate3A_95, %eq3A_235 : vector<256x512xf32>
    %jit3A_237 = arith.constant 1.000000e+30 : f32
    %broadcast_in_dim3A_238 = vector.broadcast %jit3A_237 : f32 to vector<256x512xf32>
    %select_n3A_239 = arith.select %eq3A_236, %broadcast_in_dim3A_238, %select_n3A_223 : vector<256x512xi1>, vector<256x512xf32>
    %reduce_min3A_240 = arith.constant dense<0x7F800000> : vector<256xf32>
    %reduce_min3A_241 = vector.multi_reduction <minimumf>, %select_n3A_239, %reduce_min3A_240 [1] : vector<256x512xf32> to vector<256xf32>
    %broadcast_in_dim3A_242 = vector.shape_cast %reduce_min3A_241 : vector<256xf32> to vector<256x1xf32>
    %eq3A_243 = vector.broadcast %broadcast_in_dim3A_242 : vector<256x1xf32> to vector<256x512xf32>
    %eq3A_244 = arith.cmpf oeq, %select_n3A_239, %eq3A_243 : vector<256x512xf32>
    %jit3A_245 = arith.constant 1.000000e+30 : f32
    %broadcast_in_dim3A_246 = vector.broadcast %jit3A_245 : f32 to vector<256x512xf32>
    %select_n3A_247 = arith.select %eq3A_244, %concatenate3A_95, %broadcast_in_dim3A_246 : vector<256x512xi1>, vector<256x512xf32>
    %reduce_min3A_248 = arith.constant dense<0x7F800000> : vector<256xf32>
    %reduce_min3A_249 = vector.multi_reduction <minimumf>, %select_n3A_247, %reduce_min3A_248 [1] : vector<256x512xf32> to vector<256xf32>
    %broadcast_in_dim3A_250 = vector.shape_cast %reduce_min3A_249 : vector<256xf32> to vector<256x1xf32>
    %eq3A_251 = vector.broadcast %broadcast_in_dim3A_250 : vector<256x1xf32> to vector<256x512xf32>
    %eq3A_252 = arith.cmpf oeq, %concatenate3A_95, %eq3A_251 : vector<256x512xf32>
    %jit3A_253 = arith.constant 1.000000e+30 : f32
    %broadcast_in_dim3A_254 = vector.broadcast %jit3A_253 : f32 to vector<256x512xf32>
    %select_n3A_255 = arith.select %eq3A_252, %broadcast_in_dim3A_254, %select_n3A_239 : vector<256x512xi1>, vector<256x512xf32>
    %reduce_min3A_256 = arith.constant dense<0x7F800000> : vector<256xf32>
    %reduce_min3A_257 = vector.multi_reduction <minimumf>, %select_n3A_255, %reduce_min3A_256 [1] : vector<256x512xf32> to vector<256xf32>
    %broadcast_in_dim3A_258 = vector.shape_cast %reduce_min3A_257 : vector<256xf32> to vector<256x1xf32>
    %eq3A_259 = vector.broadcast %broadcast_in_dim3A_258 : vector<256x1xf32> to vector<256x512xf32>
    %eq3A_260 = arith.cmpf oeq, %select_n3A_255, %eq3A_259 : vector<256x512xf32>
    %jit3A_261 = arith.constant 1.000000e+30 : f32
    %broadcast_in_dim3A_262 = vector.broadcast %jit3A_261 : f32 to vector<256x512xf32>
    %select_n3A_263 = arith.select %eq3A_260, %concatenate3A_95, %broadcast_in_dim3A_262 : vector<256x512xi1>, vector<256x512xf32>
    %reduce_min3A_264 = arith.constant dense<0x7F800000> : vector<256xf32>
    %reduce_min3A_265 = vector.multi_reduction <minimumf>, %select_n3A_263, %reduce_min3A_264 [1] : vector<256x512xf32> to vector<256xf32>
    %broadcast_in_dim3A_266 = vector.shape_cast %reduce_min3A_265 : vector<256xf32> to vector<256x1xf32>
    %eq3A_267 = vector.broadcast %broadcast_in_dim3A_266 : vector<256x1xf32> to vector<256x512xf32>
    %eq3A_268 = arith.cmpf oeq, %concatenate3A_95, %eq3A_267 : vector<256x512xf32>
    %jit3A_269 = arith.constant 1.000000e+30 : f32
    %broadcast_in_dim3A_270 = vector.broadcast %jit3A_269 : f32 to vector<256x512xf32>
    %select_n3A_271 = arith.select %eq3A_268, %broadcast_in_dim3A_270, %select_n3A_255 : vector<256x512xi1>, vector<256x512xf32>
    %reduce_min3A_272 = arith.constant dense<0x7F800000> : vector<256xf32>
    %reduce_min3A_273 = vector.multi_reduction <minimumf>, %select_n3A_271, %reduce_min3A_272 [1] : vector<256x512xf32> to vector<256xf32>
    %broadcast_in_dim3A_274 = vector.shape_cast %reduce_min3A_273 : vector<256xf32> to vector<256x1xf32>
    %eq3A_275 = vector.broadcast %broadcast_in_dim3A_274 : vector<256x1xf32> to vector<256x512xf32>
    %eq3A_276 = arith.cmpf oeq, %select_n3A_271, %eq3A_275 : vector<256x512xf32>
    %jit3A_277 = arith.constant 1.000000e+30 : f32
    %broadcast_in_dim3A_278 = vector.broadcast %jit3A_277 : f32 to vector<256x512xf32>
    %select_n3A_279 = arith.select %eq3A_276, %concatenate3A_95, %broadcast_in_dim3A_278 : vector<256x512xi1>, vector<256x512xf32>
    %reduce_min3A_280 = arith.constant dense<0x7F800000> : vector<256xf32>
    %reduce_min3A_281 = vector.multi_reduction <minimumf>, %select_n3A_279, %reduce_min3A_280 [1] : vector<256x512xf32> to vector<256xf32>
    %broadcast_in_dim3A_282 = vector.shape_cast %reduce_min3A_281 : vector<256xf32> to vector<256x1xf32>
    %eq3A_283 = vector.broadcast %broadcast_in_dim3A_282 : vector<256x1xf32> to vector<256x512xf32>
    %eq3A_284 = arith.cmpf oeq, %concatenate3A_95, %eq3A_283 : vector<256x512xf32>
    %jit3A_285 = arith.constant 1.000000e+30 : f32
    %broadcast_in_dim3A_286 = vector.broadcast %jit3A_285 : f32 to vector<256x512xf32>
    %select_n3A_287 = arith.select %eq3A_284, %broadcast_in_dim3A_286, %select_n3A_271 : vector<256x512xi1>, vector<256x512xf32>
    %reduce_min3A_288 = arith.constant dense<0x7F800000> : vector<256xf32>
    %reduce_min3A_289 = vector.multi_reduction <minimumf>, %select_n3A_287, %reduce_min3A_288 [1] : vector<256x512xf32> to vector<256xf32>
    %broadcast_in_dim3A_290 = vector.shape_cast %reduce_min3A_289 : vector<256xf32> to vector<256x1xf32>
    %eq3A_291 = vector.broadcast %broadcast_in_dim3A_290 : vector<256x1xf32> to vector<256x512xf32>
    %eq3A_292 = arith.cmpf oeq, %select_n3A_287, %eq3A_291 : vector<256x512xf32>
    %jit3A_293 = arith.constant 1.000000e+30 : f32
    %broadcast_in_dim3A_294 = vector.broadcast %jit3A_293 : f32 to vector<256x512xf32>
    %select_n3A_295 = arith.select %eq3A_292, %concatenate3A_95, %broadcast_in_dim3A_294 : vector<256x512xi1>, vector<256x512xf32>
    %reduce_min3A_296 = arith.constant dense<0x7F800000> : vector<256xf32>
    %reduce_min3A_297 = vector.multi_reduction <minimumf>, %select_n3A_295, %reduce_min3A_296 [1] : vector<256x512xf32> to vector<256xf32>
    %broadcast_in_dim3A_298 = vector.shape_cast %reduce_min3A_297 : vector<256xf32> to vector<256x1xf32>
    %eq3A_299 = vector.broadcast %broadcast_in_dim3A_298 : vector<256x1xf32> to vector<256x512xf32>
    %eq3A_300 = arith.cmpf oeq, %concatenate3A_95, %eq3A_299 : vector<256x512xf32>
    %jit3A_301 = arith.constant 1.000000e+30 : f32
    %broadcast_in_dim3A_302 = vector.broadcast %jit3A_301 : f32 to vector<256x512xf32>
    %select_n3A_303 = arith.select %eq3A_300, %broadcast_in_dim3A_302, %select_n3A_287 : vector<256x512xi1>, vector<256x512xf32>
    %reduce_min3A_304 = arith.constant dense<0x7F800000> : vector<256xf32>
    %reduce_min3A_305 = vector.multi_reduction <minimumf>, %select_n3A_303, %reduce_min3A_304 [1] : vector<256x512xf32> to vector<256xf32>
    %broadcast_in_dim3A_306 = vector.shape_cast %reduce_min3A_305 : vector<256xf32> to vector<256x1xf32>
    %eq3A_307 = vector.broadcast %broadcast_in_dim3A_306 : vector<256x1xf32> to vector<256x512xf32>
    %eq3A_308 = arith.cmpf oeq, %select_n3A_303, %eq3A_307 : vector<256x512xf32>
    %jit3A_309 = arith.constant 1.000000e+30 : f32
    %broadcast_in_dim3A_310 = vector.broadcast %jit3A_309 : f32 to vector<256x512xf32>
    %select_n3A_311 = arith.select %eq3A_308, %concatenate3A_95, %broadcast_in_dim3A_310 : vector<256x512xi1>, vector<256x512xf32>
    %reduce_min3A_312 = arith.constant dense<0x7F800000> : vector<256xf32>
    %reduce_min3A_313 = vector.multi_reduction <minimumf>, %select_n3A_311, %reduce_min3A_312 [1] : vector<256x512xf32> to vector<256xf32>
    %broadcast_in_dim3A_314 = vector.shape_cast %reduce_min3A_313 : vector<256xf32> to vector<256x1xf32>
    %eq3A_315 = vector.broadcast %broadcast_in_dim3A_314 : vector<256x1xf32> to vector<256x512xf32>
    %eq3A_316 = arith.cmpf oeq, %concatenate3A_95, %eq3A_315 : vector<256x512xf32>
    %jit3A_317 = arith.constant 1.000000e+30 : f32
    %broadcast_in_dim3A_318 = vector.broadcast %jit3A_317 : f32 to vector<256x512xf32>
    %select_n3A_319 = arith.select %eq3A_316, %broadcast_in_dim3A_318, %select_n3A_303 : vector<256x512xi1>, vector<256x512xf32>
    %reduce_min3A_320 = arith.constant dense<0x7F800000> : vector<256xf32>
    %reduce_min3A_321 = vector.multi_reduction <minimumf>, %select_n3A_319, %reduce_min3A_320 [1] : vector<256x512xf32> to vector<256xf32>
    %broadcast_in_dim3A_322 = vector.shape_cast %reduce_min3A_321 : vector<256xf32> to vector<256x1xf32>
    %eq3A_323 = vector.broadcast %broadcast_in_dim3A_322 : vector<256x1xf32> to vector<256x512xf32>
    %eq3A_324 = arith.cmpf oeq, %select_n3A_319, %eq3A_323 : vector<256x512xf32>
    %jit3A_325 = arith.constant 1.000000e+30 : f32
    %broadcast_in_dim3A_326 = vector.broadcast %jit3A_325 : f32 to vector<256x512xf32>
    %select_n3A_327 = arith.select %eq3A_324, %concatenate3A_95, %broadcast_in_dim3A_326 : vector<256x512xi1>, vector<256x512xf32>
    %reduce_min3A_328 = arith.constant dense<0x7F800000> : vector<256xf32>
    %reduce_min3A_329 = vector.multi_reduction <minimumf>, %select_n3A_327, %reduce_min3A_328 [1] : vector<256x512xf32> to vector<256xf32>
    %broadcast_in_dim3A_330 = vector.shape_cast %reduce_min3A_329 : vector<256xf32> to vector<256x1xf32>
    %eq3A_331 = vector.broadcast %broadcast_in_dim3A_330 : vector<256x1xf32> to vector<256x512xf32>
    %eq3A_332 = arith.cmpf oeq, %concatenate3A_95, %eq3A_331 : vector<256x512xf32>
    %jit3A_333 = arith.constant 1.000000e+30 : f32
    %broadcast_in_dim3A_334 = vector.broadcast %jit3A_333 : f32 to vector<256x512xf32>
    %select_n3A_335 = arith.select %eq3A_332, %broadcast_in_dim3A_334, %select_n3A_319 : vector<256x512xi1>, vector<256x512xf32>
    %reduce_min3A_336 = arith.constant dense<0x7F800000> : vector<256xf32>
    %reduce_min3A_337 = vector.multi_reduction <minimumf>, %select_n3A_335, %reduce_min3A_336 [1] : vector<256x512xf32> to vector<256xf32>
    %broadcast_in_dim3A_338 = vector.shape_cast %reduce_min3A_337 : vector<256xf32> to vector<256x1xf32>
    %eq3A_339 = vector.broadcast %broadcast_in_dim3A_338 : vector<256x1xf32> to vector<256x512xf32>
    %eq3A_340 = arith.cmpf oeq, %select_n3A_335, %eq3A_339 : vector<256x512xf32>
    %jit3A_341 = arith.constant 1.000000e+30 : f32
    %broadcast_in_dim3A_342 = vector.broadcast %jit3A_341 : f32 to vector<256x512xf32>
    %select_n3A_343 = arith.select %eq3A_340, %concatenate3A_95, %broadcast_in_dim3A_342 : vector<256x512xi1>, vector<256x512xf32>
    %reduce_min3A_344 = arith.constant dense<0x7F800000> : vector<256xf32>
    %reduce_min3A_345 = vector.multi_reduction <minimumf>, %select_n3A_343, %reduce_min3A_344 [1] : vector<256x512xf32> to vector<256xf32>
    %broadcast_in_dim3A_346 = vector.shape_cast %reduce_min3A_345 : vector<256xf32> to vector<256x1xf32>
    %eq3A_347 = vector.broadcast %broadcast_in_dim3A_346 : vector<256x1xf32> to vector<256x512xf32>
    %eq3A_348 = arith.cmpf oeq, %concatenate3A_95, %eq3A_347 : vector<256x512xf32>
    %jit3A_349 = arith.constant 1.000000e+30 : f32
    %broadcast_in_dim3A_350 = vector.broadcast %jit3A_349 : f32 to vector<256x512xf32>
    %select_n3A_351 = arith.select %eq3A_348, %broadcast_in_dim3A_350, %select_n3A_335 : vector<256x512xi1>, vector<256x512xf32>
    %reduce_min3A_352 = arith.constant dense<0x7F800000> : vector<256xf32>
    %reduce_min3A_353 = vector.multi_reduction <minimumf>, %select_n3A_351, %reduce_min3A_352 [1] : vector<256x512xf32> to vector<256xf32>
    %broadcast_in_dim3A_354 = vector.shape_cast %reduce_min3A_353 : vector<256xf32> to vector<256x1xf32>
    %eq3A_355 = vector.broadcast %broadcast_in_dim3A_354 : vector<256x1xf32> to vector<256x512xf32>
    %eq3A_356 = arith.cmpf oeq, %select_n3A_351, %eq3A_355 : vector<256x512xf32>
    %jit3A_357 = arith.constant 1.000000e+30 : f32
    %broadcast_in_dim3A_358 = vector.broadcast %jit3A_357 : f32 to vector<256x512xf32>
    %select_n3A_359 = arith.select %eq3A_356, %concatenate3A_95, %broadcast_in_dim3A_358 : vector<256x512xi1>, vector<256x512xf32>
    %reduce_min3A_360 = arith.constant dense<0x7F800000> : vector<256xf32>
    %reduce_min3A_361 = vector.multi_reduction <minimumf>, %select_n3A_359, %reduce_min3A_360 [1] : vector<256x512xf32> to vector<256xf32>
    %broadcast_in_dim3A_362 = vector.shape_cast %reduce_min3A_361 : vector<256xf32> to vector<256x1xf32>
    %eq3A_363 = vector.broadcast %broadcast_in_dim3A_362 : vector<256x1xf32> to vector<256x512xf32>
    %eq3A_364 = arith.cmpf oeq, %concatenate3A_95, %eq3A_363 : vector<256x512xf32>
    %jit3A_365 = arith.constant 1.000000e+30 : f32
    %broadcast_in_dim3A_366 = vector.broadcast %jit3A_365 : f32 to vector<256x512xf32>
    %select_n3A_367 = arith.select %eq3A_364, %broadcast_in_dim3A_366, %select_n3A_351 : vector<256x512xi1>, vector<256x512xf32>
    %reduce_min3A_368 = arith.constant dense<0x7F800000> : vector<256xf32>
    %reduce_min3A_369 = vector.multi_reduction <minimumf>, %select_n3A_367, %reduce_min3A_368 [1] : vector<256x512xf32> to vector<256xf32>
    %broadcast_in_dim3A_370 = vector.shape_cast %reduce_min3A_369 : vector<256xf32> to vector<256x1xf32>
    %eq3A_371 = vector.broadcast %broadcast_in_dim3A_370 : vector<256x1xf32> to vector<256x512xf32>
    %eq3A_372 = arith.cmpf oeq, %select_n3A_367, %eq3A_371 : vector<256x512xf32>
    %jit3A_373 = arith.constant 1.000000e+30 : f32
    %broadcast_in_dim3A_374 = vector.broadcast %jit3A_373 : f32 to vector<256x512xf32>
    %select_n3A_375 = arith.select %eq3A_372, %concatenate3A_95, %broadcast_in_dim3A_374 : vector<256x512xi1>, vector<256x512xf32>
    %reduce_min3A_376 = arith.constant dense<0x7F800000> : vector<256xf32>
    %reduce_min3A_377 = vector.multi_reduction <minimumf>, %select_n3A_375, %reduce_min3A_376 [1] : vector<256x512xf32> to vector<256xf32>
    %broadcast_in_dim3A_378 = vector.shape_cast %reduce_min3A_377 : vector<256xf32> to vector<256x1xf32>
    %eq3A_379 = vector.broadcast %broadcast_in_dim3A_378 : vector<256x1xf32> to vector<256x512xf32>
    %eq3A_380 = arith.cmpf oeq, %concatenate3A_95, %eq3A_379 : vector<256x512xf32>
    %jit3A_381 = arith.constant 1.000000e+30 : f32
    %broadcast_in_dim3A_382 = vector.broadcast %jit3A_381 : f32 to vector<256x512xf32>
    %select_n3A_383 = arith.select %eq3A_380, %broadcast_in_dim3A_382, %select_n3A_367 : vector<256x512xi1>, vector<256x512xf32>
    %reduce_min3A_384 = arith.constant dense<0x7F800000> : vector<256xf32>
    %reduce_min3A_385 = vector.multi_reduction <minimumf>, %select_n3A_383, %reduce_min3A_384 [1] : vector<256x512xf32> to vector<256xf32>
    %broadcast_in_dim3A_386 = vector.shape_cast %reduce_min3A_385 : vector<256xf32> to vector<256x1xf32>
    %eq3A_387 = vector.broadcast %broadcast_in_dim3A_386 : vector<256x1xf32> to vector<256x512xf32>
    %eq3A_388 = arith.cmpf oeq, %select_n3A_383, %eq3A_387 : vector<256x512xf32>
    %jit3A_389 = arith.constant 1.000000e+30 : f32
    %broadcast_in_dim3A_390 = vector.broadcast %jit3A_389 : f32 to vector<256x512xf32>
    %select_n3A_391 = arith.select %eq3A_388, %concatenate3A_95, %broadcast_in_dim3A_390 : vector<256x512xi1>, vector<256x512xf32>
    %reduce_min3A_392 = arith.constant dense<0x7F800000> : vector<256xf32>
    %reduce_min3A_393 = vector.multi_reduction <minimumf>, %select_n3A_391, %reduce_min3A_392 [1] : vector<256x512xf32> to vector<256xf32>
    %broadcast_in_dim3A_394 = vector.shape_cast %reduce_min3A_393 : vector<256xf32> to vector<256x1xf32>
    %eq3A_395 = vector.broadcast %broadcast_in_dim3A_394 : vector<256x1xf32> to vector<256x512xf32>
    %eq3A_396 = arith.cmpf oeq, %concatenate3A_95, %eq3A_395 : vector<256x512xf32>
    %jit3A_397 = arith.constant 1.000000e+30 : f32
    %broadcast_in_dim3A_398 = vector.broadcast %jit3A_397 : f32 to vector<256x512xf32>
    %select_n3A_399 = arith.select %eq3A_396, %broadcast_in_dim3A_398, %select_n3A_383 : vector<256x512xi1>, vector<256x512xf32>
    %reduce_min3A_400 = arith.constant dense<0x7F800000> : vector<256xf32>
    %reduce_min3A_401 = vector.multi_reduction <minimumf>, %select_n3A_399, %reduce_min3A_400 [1] : vector<256x512xf32> to vector<256xf32>
    %broadcast_in_dim3A_402 = vector.shape_cast %reduce_min3A_401 : vector<256xf32> to vector<256x1xf32>
    %eq3A_403 = vector.broadcast %broadcast_in_dim3A_402 : vector<256x1xf32> to vector<256x512xf32>
    %eq3A_404 = arith.cmpf oeq, %select_n3A_399, %eq3A_403 : vector<256x512xf32>
    %jit3A_405 = arith.constant 1.000000e+30 : f32
    %broadcast_in_dim3A_406 = vector.broadcast %jit3A_405 : f32 to vector<256x512xf32>
    %select_n3A_407 = arith.select %eq3A_404, %concatenate3A_95, %broadcast_in_dim3A_406 : vector<256x512xi1>, vector<256x512xf32>
    %reduce_min3A_408 = arith.constant dense<0x7F800000> : vector<256xf32>
    %reduce_min3A_409 = vector.multi_reduction <minimumf>, %select_n3A_407, %reduce_min3A_408 [1] : vector<256x512xf32> to vector<256xf32>
    %broadcast_in_dim3A_410 = vector.shape_cast %reduce_min3A_409 : vector<256xf32> to vector<256x1xf32>
    %eq3A_411 = vector.broadcast %broadcast_in_dim3A_410 : vector<256x1xf32> to vector<256x512xf32>
    %eq3A_412 = arith.cmpf oeq, %concatenate3A_95, %eq3A_411 : vector<256x512xf32>
    %jit3A_413 = arith.constant 1.000000e+30 : f32
    %broadcast_in_dim3A_414 = vector.broadcast %jit3A_413 : f32 to vector<256x512xf32>
    %select_n3A_415 = arith.select %eq3A_412, %broadcast_in_dim3A_414, %select_n3A_399 : vector<256x512xi1>, vector<256x512xf32>
    %reduce_min3A_416 = arith.constant dense<0x7F800000> : vector<256xf32>
    %reduce_min3A_417 = vector.multi_reduction <minimumf>, %select_n3A_415, %reduce_min3A_416 [1] : vector<256x512xf32> to vector<256xf32>
    %broadcast_in_dim3A_418 = vector.shape_cast %reduce_min3A_417 : vector<256xf32> to vector<256x1xf32>
    %eq3A_419 = vector.broadcast %broadcast_in_dim3A_418 : vector<256x1xf32> to vector<256x512xf32>
    %eq3A_420 = arith.cmpf oeq, %select_n3A_415, %eq3A_419 : vector<256x512xf32>
    %jit3A_421 = arith.constant 1.000000e+30 : f32
    %broadcast_in_dim3A_422 = vector.broadcast %jit3A_421 : f32 to vector<256x512xf32>
    %select_n3A_423 = arith.select %eq3A_420, %concatenate3A_95, %broadcast_in_dim3A_422 : vector<256x512xi1>, vector<256x512xf32>
    %reduce_min3A_424 = arith.constant dense<0x7F800000> : vector<256xf32>
    %reduce_min3A_425 = vector.multi_reduction <minimumf>, %select_n3A_423, %reduce_min3A_424 [1] : vector<256x512xf32> to vector<256xf32>
    %broadcast_in_dim3A_426 = vector.shape_cast %reduce_min3A_425 : vector<256xf32> to vector<256x1xf32>
    %eq3A_427 = vector.broadcast %broadcast_in_dim3A_426 : vector<256x1xf32> to vector<256x512xf32>
    %eq3A_428 = arith.cmpf oeq, %concatenate3A_95, %eq3A_427 : vector<256x512xf32>
    %jit3A_429 = arith.constant 1.000000e+30 : f32
    %broadcast_in_dim3A_430 = vector.broadcast %jit3A_429 : f32 to vector<256x512xf32>
    %select_n3A_431 = arith.select %eq3A_428, %broadcast_in_dim3A_430, %select_n3A_415 : vector<256x512xi1>, vector<256x512xf32>
    %reduce_min3A_432 = arith.constant dense<0x7F800000> : vector<256xf32>
    %reduce_min3A_433 = vector.multi_reduction <minimumf>, %select_n3A_431, %reduce_min3A_432 [1] : vector<256x512xf32> to vector<256xf32>
    %broadcast_in_dim3A_434 = vector.shape_cast %reduce_min3A_433 : vector<256xf32> to vector<256x1xf32>
    %eq3A_435 = vector.broadcast %broadcast_in_dim3A_434 : vector<256x1xf32> to vector<256x512xf32>
    %eq3A_436 = arith.cmpf oeq, %select_n3A_431, %eq3A_435 : vector<256x512xf32>
    %jit3A_437 = arith.constant 1.000000e+30 : f32
    %broadcast_in_dim3A_438 = vector.broadcast %jit3A_437 : f32 to vector<256x512xf32>
    %select_n3A_439 = arith.select %eq3A_436, %concatenate3A_95, %broadcast_in_dim3A_438 : vector<256x512xi1>, vector<256x512xf32>
    %reduce_min3A_440 = arith.constant dense<0x7F800000> : vector<256xf32>
    %reduce_min3A_441 = vector.multi_reduction <minimumf>, %select_n3A_439, %reduce_min3A_440 [1] : vector<256x512xf32> to vector<256xf32>
    %broadcast_in_dim3A_442 = vector.shape_cast %reduce_min3A_441 : vector<256xf32> to vector<256x1xf32>
    %eq3A_443 = vector.broadcast %broadcast_in_dim3A_442 : vector<256x1xf32> to vector<256x512xf32>
    %eq3A_444 = arith.cmpf oeq, %concatenate3A_95, %eq3A_443 : vector<256x512xf32>
    %jit3A_445 = arith.constant 1.000000e+30 : f32
    %broadcast_in_dim3A_446 = vector.broadcast %jit3A_445 : f32 to vector<256x512xf32>
    %select_n3A_447 = arith.select %eq3A_444, %broadcast_in_dim3A_446, %select_n3A_431 : vector<256x512xi1>, vector<256x512xf32>
    %reduce_min3A_448 = arith.constant dense<0x7F800000> : vector<256xf32>
    %reduce_min3A_449 = vector.multi_reduction <minimumf>, %select_n3A_447, %reduce_min3A_448 [1] : vector<256x512xf32> to vector<256xf32>
    %broadcast_in_dim3A_450 = vector.shape_cast %reduce_min3A_449 : vector<256xf32> to vector<256x1xf32>
    %eq3A_451 = vector.broadcast %broadcast_in_dim3A_450 : vector<256x1xf32> to vector<256x512xf32>
    %eq3A_452 = arith.cmpf oeq, %select_n3A_447, %eq3A_451 : vector<256x512xf32>
    %jit3A_453 = arith.constant 1.000000e+30 : f32
    %broadcast_in_dim3A_454 = vector.broadcast %jit3A_453 : f32 to vector<256x512xf32>
    %select_n3A_455 = arith.select %eq3A_452, %concatenate3A_95, %broadcast_in_dim3A_454 : vector<256x512xi1>, vector<256x512xf32>
    %reduce_min3A_456 = arith.constant dense<0x7F800000> : vector<256xf32>
    %reduce_min3A_457 = vector.multi_reduction <minimumf>, %select_n3A_455, %reduce_min3A_456 [1] : vector<256x512xf32> to vector<256xf32>
    %broadcast_in_dim3A_458 = vector.shape_cast %reduce_min3A_457 : vector<256xf32> to vector<256x1xf32>
    %eq3A_459 = vector.broadcast %broadcast_in_dim3A_458 : vector<256x1xf32> to vector<256x512xf32>
    %eq3A_460 = arith.cmpf oeq, %concatenate3A_95, %eq3A_459 : vector<256x512xf32>
    %jit3A_461 = arith.constant 1.000000e+30 : f32
    %broadcast_in_dim3A_462 = vector.broadcast %jit3A_461 : f32 to vector<256x512xf32>
    %select_n3A_463 = arith.select %eq3A_460, %broadcast_in_dim3A_462, %select_n3A_447 : vector<256x512xi1>, vector<256x512xf32>
    %reduce_min3A_464 = arith.constant dense<0x7F800000> : vector<256xf32>
    %reduce_min3A_465 = vector.multi_reduction <minimumf>, %select_n3A_463, %reduce_min3A_464 [1] : vector<256x512xf32> to vector<256xf32>
    %broadcast_in_dim3A_466 = vector.shape_cast %reduce_min3A_465 : vector<256xf32> to vector<256x1xf32>
    %eq3A_467 = vector.broadcast %broadcast_in_dim3A_466 : vector<256x1xf32> to vector<256x512xf32>
    %eq3A_468 = arith.cmpf oeq, %select_n3A_463, %eq3A_467 : vector<256x512xf32>
    %jit3A_469 = arith.constant 1.000000e+30 : f32
    %broadcast_in_dim3A_470 = vector.broadcast %jit3A_469 : f32 to vector<256x512xf32>
    %select_n3A_471 = arith.select %eq3A_468, %concatenate3A_95, %broadcast_in_dim3A_470 : vector<256x512xi1>, vector<256x512xf32>
    %reduce_min3A_472 = arith.constant dense<0x7F800000> : vector<256xf32>
    %reduce_min3A_473 = vector.multi_reduction <minimumf>, %select_n3A_471, %reduce_min3A_472 [1] : vector<256x512xf32> to vector<256xf32>
    %broadcast_in_dim3A_474 = vector.shape_cast %reduce_min3A_473 : vector<256xf32> to vector<256x1xf32>
    %eq3A_475 = vector.broadcast %broadcast_in_dim3A_474 : vector<256x1xf32> to vector<256x512xf32>
    %eq3A_476 = arith.cmpf oeq, %concatenate3A_95, %eq3A_475 : vector<256x512xf32>
    %jit3A_477 = arith.constant 1.000000e+30 : f32
    %broadcast_in_dim3A_478 = vector.broadcast %jit3A_477 : f32 to vector<256x512xf32>
    %select_n3A_479 = arith.select %eq3A_476, %broadcast_in_dim3A_478, %select_n3A_463 : vector<256x512xi1>, vector<256x512xf32>
    %reduce_min3A_480 = arith.constant dense<0x7F800000> : vector<256xf32>
    %reduce_min3A_481 = vector.multi_reduction <minimumf>, %select_n3A_479, %reduce_min3A_480 [1] : vector<256x512xf32> to vector<256xf32>
    %broadcast_in_dim3A_482 = vector.shape_cast %reduce_min3A_481 : vector<256xf32> to vector<256x1xf32>
    %eq3A_483 = vector.broadcast %broadcast_in_dim3A_482 : vector<256x1xf32> to vector<256x512xf32>
    %eq3A_484 = arith.cmpf oeq, %select_n3A_479, %eq3A_483 : vector<256x512xf32>
    %jit3A_485 = arith.constant 1.000000e+30 : f32
    %broadcast_in_dim3A_486 = vector.broadcast %jit3A_485 : f32 to vector<256x512xf32>
    %select_n3A_487 = arith.select %eq3A_484, %concatenate3A_95, %broadcast_in_dim3A_486 : vector<256x512xi1>, vector<256x512xf32>
    %reduce_min3A_488 = arith.constant dense<0x7F800000> : vector<256xf32>
    %reduce_min3A_489 = vector.multi_reduction <minimumf>, %select_n3A_487, %reduce_min3A_488 [1] : vector<256x512xf32> to vector<256xf32>
    %broadcast_in_dim3A_490 = vector.shape_cast %reduce_min3A_489 : vector<256xf32> to vector<256x1xf32>
    %eq3A_491 = vector.broadcast %broadcast_in_dim3A_490 : vector<256x1xf32> to vector<256x512xf32>
    %eq3A_492 = arith.cmpf oeq, %concatenate3A_95, %eq3A_491 : vector<256x512xf32>
    %jit3A_493 = arith.constant 1.000000e+30 : f32
    %broadcast_in_dim3A_494 = vector.broadcast %jit3A_493 : f32 to vector<256x512xf32>
    %select_n3A_495 = arith.select %eq3A_492, %broadcast_in_dim3A_494, %select_n3A_479 : vector<256x512xi1>, vector<256x512xf32>
    %reduce_min3A_496 = arith.constant dense<0x7F800000> : vector<256xf32>
    %reduce_min3A_497 = vector.multi_reduction <minimumf>, %select_n3A_495, %reduce_min3A_496 [1] : vector<256x512xf32> to vector<256xf32>
    %broadcast_in_dim3A_498 = vector.shape_cast %reduce_min3A_497 : vector<256xf32> to vector<256x1xf32>
    %eq3A_499 = vector.broadcast %broadcast_in_dim3A_498 : vector<256x1xf32> to vector<256x512xf32>
    %eq3A_500 = arith.cmpf oeq, %select_n3A_495, %eq3A_499 : vector<256x512xf32>
    %jit3A_501 = arith.constant 1.000000e+30 : f32
    %broadcast_in_dim3A_502 = vector.broadcast %jit3A_501 : f32 to vector<256x512xf32>
    %select_n3A_503 = arith.select %eq3A_500, %concatenate3A_95, %broadcast_in_dim3A_502 : vector<256x512xi1>, vector<256x512xf32>
    %reduce_min3A_504 = arith.constant dense<0x7F800000> : vector<256xf32>
    %reduce_min3A_505 = vector.multi_reduction <minimumf>, %select_n3A_503, %reduce_min3A_504 [1] : vector<256x512xf32> to vector<256xf32>
    %broadcast_in_dim3A_506 = vector.shape_cast %reduce_min3A_505 : vector<256xf32> to vector<256x1xf32>
    %eq3A_507 = vector.broadcast %broadcast_in_dim3A_506 : vector<256x1xf32> to vector<256x512xf32>
    %eq3A_508 = arith.cmpf oeq, %concatenate3A_95, %eq3A_507 : vector<256x512xf32>
    %jit3A_509 = arith.constant 1.000000e+30 : f32
    %broadcast_in_dim3A_510 = vector.broadcast %jit3A_509 : f32 to vector<256x512xf32>
    %select_n3A_511 = arith.select %eq3A_508, %broadcast_in_dim3A_510, %select_n3A_495 : vector<256x512xi1>, vector<256x512xf32>
    %reduce_min3A_512 = arith.constant dense<0x7F800000> : vector<256xf32>
    %reduce_min3A_513 = vector.multi_reduction <minimumf>, %select_n3A_511, %reduce_min3A_512 [1] : vector<256x512xf32> to vector<256xf32>
    %broadcast_in_dim3A_514 = vector.shape_cast %reduce_min3A_513 : vector<256xf32> to vector<256x1xf32>
    %eq3A_515 = vector.broadcast %broadcast_in_dim3A_514 : vector<256x1xf32> to vector<256x512xf32>
    %eq3A_516 = arith.cmpf oeq, %select_n3A_511, %eq3A_515 : vector<256x512xf32>
    %jit3A_517 = arith.constant 1.000000e+30 : f32
    %broadcast_in_dim3A_518 = vector.broadcast %jit3A_517 : f32 to vector<256x512xf32>
    %select_n3A_519 = arith.select %eq3A_516, %concatenate3A_95, %broadcast_in_dim3A_518 : vector<256x512xi1>, vector<256x512xf32>
    %reduce_min3A_520 = arith.constant dense<0x7F800000> : vector<256xf32>
    %reduce_min3A_521 = vector.multi_reduction <minimumf>, %select_n3A_519, %reduce_min3A_520 [1] : vector<256x512xf32> to vector<256xf32>
    %broadcast_in_dim3A_522 = vector.shape_cast %reduce_min3A_521 : vector<256xf32> to vector<256x1xf32>
    %broadcast_in_dim3A_523 = arith.constant 0.000000e+00 : f32
    %broadcast_in_dim3A_524 = vector.broadcast %broadcast_in_dim3A_523 : f32 to vector<256x5xf32>
    %concatenate3A_525 = tpu.concatenate %broadcast_in_dim3A_106, %broadcast_in_dim3A_122, %broadcast_in_dim3A_138, %broadcast_in_dim3A_154, %broadcast_in_dim3A_170, %broadcast_in_dim3A_186, %broadcast_in_dim3A_202, %broadcast_in_dim3A_218, %broadcast_in_dim3A_234, %broadcast_in_dim3A_250, %broadcast_in_dim3A_266, %broadcast_in_dim3A_282, %broadcast_in_dim3A_298, %broadcast_in_dim3A_314, %broadcast_in_dim3A_330, %broadcast_in_dim3A_346, %broadcast_in_dim3A_362, %broadcast_in_dim3A_378, %broadcast_in_dim3A_394, %broadcast_in_dim3A_410, %broadcast_in_dim3A_426, %broadcast_in_dim3A_442, %broadcast_in_dim3A_458, %broadcast_in_dim3A_474, %broadcast_in_dim3A_490, %broadcast_in_dim3A_506, %broadcast_in_dim3A_522, %broadcast_in_dim3A_524 in 1 : vector<256x1xf32>, vector<256x1xf32>, vector<256x1xf32>, vector<256x1xf32>, vector<256x1xf32>, vector<256x1xf32>, vector<256x1xf32>, vector<256x1xf32>, vector<256x1xf32>, vector<256x1xf32>, vector<256x1xf32>, vector<256x1xf32>, vector<256x1xf32>, vector<256x1xf32>, vector<256x1xf32>, vector<256x1xf32>, vector<256x1xf32>, vector<256x1xf32>, vector<256x1xf32>, vector<256x1xf32>, vector<256x1xf32>, vector<256x1xf32>, vector<256x1xf32>, vector<256x1xf32>, vector<256x1xf32>, vector<256x1xf32>, vector<256x1xf32>, vector<256x5xf32> -> vector<256x32xf32>
    %convert_element_type3A_526 = arith.fptosi %concatenate3A_525 : vector<256x32xf32> to vector<256x32xi32>
    %swap3A = arith.constant 0 : index
    %swap3A_527 = arith.constant 0 : index
    %swap3A_528 = vector.load %arg3[%swap3A, %swap3A_527] : memref<256x32xi32, #tpu.memory_space<vmem>>, vector<256x32xi32>
    tpu.vector_store %arg3[%swap3A, %swap3A_527], %convert_element_type3A_526 {strides = array<i32>} : memref<256x32xi32, #tpu.memory_space<vmem>>, vector<256x32xi32>,
    return
  }
  func.func @transform_0(%arg0: i32) -> (i32, i32) {
    %c0_i32 = arith.constant 0 : i32
    %c0_i32_0 = arith.constant 0 : i32
    return %arg0, %c0_i32 : i32, i32
  }
  func.func @transform_1(%arg0: i32) -> (i32, i32) {
    %c0_i32 = arith.constant 0 : i32
    %c0_i32_0 = arith.constant 0 : i32
    %c0_i32_1 = arith.constant 0 : i32
    return %c0_i32, %c0_i32_0 : i32, i32
  }
  func.func @transform_2(%arg0: i32) -> (i32, i32) {
    %c0_i32 = arith.constant 0 : i32
    %c0_i32_0 = arith.constant 0 : i32
    return %arg0, %c0_i32 : i32, i32
  }
}

module attributes {stable_mosaic.version = 14 : i64} {
  func.func @_pool_body(%arg0: i32, %arg1: memref<400x128xf32, #tpu.memory_space<vmem>>, %arg2: memref<400x128xf32, #tpu.memory_space<vmem>>, %arg3: memref<400x128xf32, #tpu.memory_space<vmem>>, %arg4: memref<400x128xf32, #tpu.memory_space<vmem>>, %arg5: memref<400x128xf32, #tpu.memory_space<vmem>>, %arg6: memref<400x128xf32, #tpu.memory_space<vmem>>, %arg7: memref<400x128xf32, #tpu.memory_space<vmem>>, %arg8: memref<400x128xf32, #tpu.memory_space<vmem>>, %arg9: memref<16x16xf32, #tpu.memory_space<vmem>>, %arg10: memref<1x16xf32, #tpu.memory_space<vmem>>, %arg11: memref<16x16xf32, #tpu.memory_space<vmem>>, %arg12: memref<1x16xf32, #tpu.memory_space<vmem>>, %arg13: memref<16x16xf32, #tpu.memory_space<vmem>>, %arg14: memref<1x16xf32, #tpu.memory_space<vmem>>, %arg15: memref<400x32xf32, #tpu.memory_space<vmem>>, %arg16: memref<400x128xf32, #tpu.memory_space<vmem>>) attributes {dimension_semantics = [#tpu.dimension_semantics<arbitrary>], iteration_bounds = array<i64: 25>, scalar_prefetch = 0 : i64, scratch_operands = 0 : i64, tpu.core_type = #tpu.core_type<tc>, window_params = [{transform_indices = @transform_0, window_bounds = array<i64: 400, 128>}, {transform_indices = @transform_1, window_bounds = array<i64: 400, 128>}, {transform_indices = @transform_2, window_bounds = array<i64: 400, 128>}, {transform_indices = @transform_3, window_bounds = array<i64: 400, 128>}, {transform_indices = @transform_4, window_bounds = array<i64: 400, 128>}, {transform_indices = @transform_5, window_bounds = array<i64: 400, 128>}, {transform_indices = @transform_6, window_bounds = array<i64: 400, 128>}, {transform_indices = @transform_7, window_bounds = array<i64: 400, 128>}, {pipeline_mode = #tpu.pipeline_mode<synchronous>, transform_indices = @transform_8, window_bounds = array<i64: 16, 16>}, {pipeline_mode = #tpu.pipeline_mode<synchronous>, transform_indices = @transform_9, window_bounds = array<i64: 1, 16>}, {pipeline_mode = #tpu.pipeline_mode<synchronous>, transform_indices = @transform_10, window_bounds = array<i64: 16, 16>}, {pipeline_mode = #tpu.pipeline_mode<synchronous>, transform_indices = @transform_11, window_bounds = array<i64: 1, 16>}, {pipeline_mode = #tpu.pipeline_mode<synchronous>, transform_indices = @transform_12, window_bounds = array<i64: 16, 16>}, {pipeline_mode = #tpu.pipeline_mode<synchronous>, transform_indices = @transform_13, window_bounds = array<i64: 1, 16>}, {transform_indices = @transform_14, window_bounds = array<i64: 400, 32>}, {transform_indices = @transform_15, window_bounds = array<i64: 400, 128>}]} {
    %get3A = arith.constant 0 : index
    %get3A_0 = arith.constant 0 : index
    %get3A_1 = vector.load %arg1[%get3A, %get3A_0] : memref<400x128xf32, #tpu.memory_space<vmem>>, vector<400x128xf32>
    %get3A_2 = arith.constant 0 : index
    %get3A_3 = arith.constant 0 : index
    %get3A_4 = vector.load %arg2[%get3A_2, %get3A_3] : memref<400x128xf32, #tpu.memory_space<vmem>>, vector<400x128xf32>
    %get3A_5 = arith.constant 0 : index
    %get3A_6 = arith.constant 0 : index
    %get3A_7 = vector.load %arg3[%get3A_5, %get3A_6] : memref<400x128xf32, #tpu.memory_space<vmem>>, vector<400x128xf32>
    %get3A_8 = arith.constant 0 : index
    %get3A_9 = arith.constant 0 : index
    %get3A_10 = vector.load %arg4[%get3A_8, %get3A_9] : memref<400x128xf32, #tpu.memory_space<vmem>>, vector<400x128xf32>
    %get3A_11 = arith.constant 0 : index
    %get3A_12 = arith.constant 0 : index
    %get3A_13 = vector.load %arg5[%get3A_11, %get3A_12] : memref<400x128xf32, #tpu.memory_space<vmem>>, vector<400x128xf32>
    %get3A_14 = arith.constant 0 : index
    %get3A_15 = arith.constant 0 : index
    %get3A_16 = vector.load %arg6[%get3A_14, %get3A_15] : memref<400x128xf32, #tpu.memory_space<vmem>>, vector<400x128xf32>
    %get3A_17 = arith.constant 0 : index
    %get3A_18 = arith.constant 0 : index
    %get3A_19 = vector.load %arg7[%get3A_17, %get3A_18] : memref<400x128xf32, #tpu.memory_space<vmem>>, vector<400x128xf32>
    %get3A_20 = arith.constant 0 : index
    %get3A_21 = arith.constant 0 : index
    %get3A_22 = vector.load %arg8[%get3A_20, %get3A_21] : memref<400x128xf32, #tpu.memory_space<vmem>>, vector<400x128xf32>
    %slice3A = vector.extract_strided_slice %get3A_1 {offsets = [0, 16], sizes = [400, 1], strides = [1, 1]} : vector<400x128xf32> to vector<400x1xf32>
    %slice3A_23 = vector.extract_strided_slice %get3A_4 {offsets = [0, 16], sizes = [400, 1], strides = [1, 1]} : vector<400x128xf32> to vector<400x1xf32>
    %slice3A_24 = vector.extract_strided_slice %get3A_7 {offsets = [0, 16], sizes = [400, 1], strides = [1, 1]} : vector<400x128xf32> to vector<400x1xf32>
    %slice3A_25 = vector.extract_strided_slice %get3A_10 {offsets = [0, 16], sizes = [400, 1], strides = [1, 1]} : vector<400x128xf32> to vector<400x1xf32>
    %slice3A_26 = vector.extract_strided_slice %get3A_13 {offsets = [0, 16], sizes = [400, 1], strides = [1, 1]} : vector<400x128xf32> to vector<400x1xf32>
    %slice3A_27 = vector.extract_strided_slice %get3A_16 {offsets = [0, 16], sizes = [400, 1], strides = [1, 1]} : vector<400x128xf32> to vector<400x1xf32>
    %slice3A_28 = vector.extract_strided_slice %get3A_19 {offsets = [0, 16], sizes = [400, 1], strides = [1, 1]} : vector<400x128xf32> to vector<400x1xf32>
    %slice3A_29 = vector.extract_strided_slice %get3A_22 {offsets = [0, 16], sizes = [400, 1], strides = [1, 1]} : vector<400x128xf32> to vector<400x1xf32>
    %max3A = arith.maximumf %slice3A, %slice3A_23 : vector<400x1xf32>
    %max3A_30 = arith.maximumf %max3A, %slice3A_24 : vector<400x1xf32>
    %max3A_31 = arith.maximumf %max3A_30, %slice3A_25 : vector<400x1xf32>
    %max3A_32 = arith.maximumf %max3A_31, %slice3A_26 : vector<400x1xf32>
    %max3A_33 = arith.maximumf %max3A_32, %slice3A_27 : vector<400x1xf32>
    %max3A_34 = arith.maximumf %max3A_33, %slice3A_28 : vector<400x1xf32>
    %max3A_35 = arith.maximumf %max3A_34, %slice3A_29 : vector<400x1xf32>
    %sub3A = arith.subf %slice3A, %max3A_35 : vector<400x1xf32>
    %exp3A = math.exp %sub3A : vector<400x1xf32>
    %sub3A_36 = arith.subf %slice3A_23, %max3A_35 : vector<400x1xf32>
    %exp3A_37 = math.exp %sub3A_36 : vector<400x1xf32>
    %sub3A_38 = arith.subf %slice3A_24, %max3A_35 : vector<400x1xf32>
    %exp3A_39 = math.exp %sub3A_38 : vector<400x1xf32>
    %sub3A_40 = arith.subf %slice3A_25, %max3A_35 : vector<400x1xf32>
    %exp3A_41 = math.exp %sub3A_40 : vector<400x1xf32>
    %sub3A_42 = arith.subf %slice3A_26, %max3A_35 : vector<400x1xf32>
    %exp3A_43 = math.exp %sub3A_42 : vector<400x1xf32>
    %sub3A_44 = arith.subf %slice3A_27, %max3A_35 : vector<400x1xf32>
    %exp3A_45 = math.exp %sub3A_44 : vector<400x1xf32>
    %sub3A_46 = arith.subf %slice3A_28, %max3A_35 : vector<400x1xf32>
    %exp3A_47 = math.exp %sub3A_46 : vector<400x1xf32>
    %sub3A_48 = arith.subf %slice3A_29, %max3A_35 : vector<400x1xf32>
    %exp3A_49 = math.exp %sub3A_48 : vector<400x1xf32>
    %add3A = arith.addf %exp3A, %exp3A_37 : vector<400x1xf32>
    %add3A_50 = arith.addf %add3A, %exp3A_39 : vector<400x1xf32>
    %add3A_51 = arith.addf %add3A_50, %exp3A_41 : vector<400x1xf32>
    %add3A_52 = arith.addf %add3A_51, %exp3A_43 : vector<400x1xf32>
    %add3A_53 = arith.addf %add3A_52, %exp3A_45 : vector<400x1xf32>
    %add3A_54 = arith.addf %add3A_53, %exp3A_47 : vector<400x1xf32>
    %add3A_55 = arith.addf %add3A_54, %exp3A_49 : vector<400x1xf32>
    %slice3A_56 = vector.extract_strided_slice %get3A_1 {offsets = [0, 0], sizes = [400, 16], strides = [1, 1]} : vector<400x128xf32> to vector<400x16xf32>
    %mul3A = vector.broadcast %exp3A : vector<400x1xf32> to vector<400x16xf32>
    %mul3A_57 = arith.mulf %mul3A, %slice3A_56 : vector<400x16xf32>
    %slice3A_58 = vector.extract_strided_slice %get3A_4 {offsets = [0, 0], sizes = [400, 16], strides = [1, 1]} : vector<400x128xf32> to vector<400x16xf32>
    %mul3A_59 = vector.broadcast %exp3A_37 : vector<400x1xf32> to vector<400x16xf32>
    %mul3A_60 = arith.mulf %mul3A_59, %slice3A_58 : vector<400x16xf32>
    %add3A_61 = arith.addf %mul3A_57, %mul3A_60 : vector<400x16xf32>
    %slice3A_62 = vector.extract_strided_slice %get3A_7 {offsets = [0, 0], sizes = [400, 16], strides = [1, 1]} : vector<400x128xf32> to vector<400x16xf32>
    %mul3A_63 = vector.broadcast %exp3A_39 : vector<400x1xf32> to vector<400x16xf32>
    %mul3A_64 = arith.mulf %mul3A_63, %slice3A_62 : vector<400x16xf32>
    %add3A_65 = arith.addf %add3A_61, %mul3A_64 : vector<400x16xf32>
    %slice3A_66 = vector.extract_strided_slice %get3A_10 {offsets = [0, 0], sizes = [400, 16], strides = [1, 1]} : vector<400x128xf32> to vector<400x16xf32>
    %mul3A_67 = vector.broadcast %exp3A_41 : vector<400x1xf32> to vector<400x16xf32>
    %mul3A_68 = arith.mulf %mul3A_67, %slice3A_66 : vector<400x16xf32>
    %add3A_69 = arith.addf %add3A_65, %mul3A_68 : vector<400x16xf32>
    %slice3A_70 = vector.extract_strided_slice %get3A_13 {offsets = [0, 0], sizes = [400, 16], strides = [1, 1]} : vector<400x128xf32> to vector<400x16xf32>
    %mul3A_71 = vector.broadcast %exp3A_43 : vector<400x1xf32> to vector<400x16xf32>
    %mul3A_72 = arith.mulf %mul3A_71, %slice3A_70 : vector<400x16xf32>
    %add3A_73 = arith.addf %add3A_69, %mul3A_72 : vector<400x16xf32>
    %slice3A_74 = vector.extract_strided_slice %get3A_16 {offsets = [0, 0], sizes = [400, 16], strides = [1, 1]} : vector<400x128xf32> to vector<400x16xf32>
    %mul3A_75 = vector.broadcast %exp3A_45 : vector<400x1xf32> to vector<400x16xf32>
    %mul3A_76 = arith.mulf %mul3A_75, %slice3A_74 : vector<400x16xf32>
    %add3A_77 = arith.addf %add3A_73, %mul3A_76 : vector<400x16xf32>
    %slice3A_78 = vector.extract_strided_slice %get3A_19 {offsets = [0, 0], sizes = [400, 16], strides = [1, 1]} : vector<400x128xf32> to vector<400x16xf32>
    %mul3A_79 = vector.broadcast %exp3A_47 : vector<400x1xf32> to vector<400x16xf32>
    %mul3A_80 = arith.mulf %mul3A_79, %slice3A_78 : vector<400x16xf32>
    %add3A_81 = arith.addf %add3A_77, %mul3A_80 : vector<400x16xf32>
    %slice3A_82 = vector.extract_strided_slice %get3A_22 {offsets = [0, 0], sizes = [400, 16], strides = [1, 1]} : vector<400x128xf32> to vector<400x16xf32>
    %mul3A_83 = vector.broadcast %exp3A_49 : vector<400x1xf32> to vector<400x16xf32>
    %mul3A_84 = arith.mulf %mul3A_83, %slice3A_82 : vector<400x16xf32>
    %add3A_85 = arith.addf %add3A_81, %mul3A_84 : vector<400x16xf32>
    %div3A = vector.broadcast %add3A_55 : vector<400x1xf32> to vector<400x16xf32>
    %div3A_86 = arith.divf %add3A_85, %div3A : vector<400x16xf32>
    %get3A_87 = arith.constant 0 : index
    %get3A_88 = arith.constant 0 : index
    %get3A_89 = vector.load %arg9[%get3A_87, %get3A_88] : memref<16x16xf32, #tpu.memory_space<vmem>>, vector<16x16xf32>
    %dot_general3A = arith.constant dense<0.000000e+00> : vector<400x16xf32>
    %dot_general3A_90 = tpu.matmul %div3A_86, %get3A_89, %dot_general3A {dimension_numbers = #tpu.dot_dimension_numbers<[1], [0], [0], [1], [0, 0, 1, 1], [], []>, transpose_lhs_hint = false} : vector<400x16xf32>, vector<16x16xf32>, vector<400x16xf32> -> vector<400x16xf32>
    %get3A_91 = arith.constant 0 : index
    %get3A_92 = arith.constant 0 : index
    %get3A_93 = vector.load %arg10[%get3A_91, %get3A_92] : memref<1x16xf32, #tpu.memory_space<vmem>>, vector<1x16xf32>
    %add3A_94 = vector.broadcast %get3A_93 : vector<1x16xf32> to vector<400x16xf32>
    %add3A_95 = arith.addf %dot_general3A_90, %add3A_94 : vector<400x16xf32>
    %get3A_96 = arith.constant 0 : index
    %get3A_97 = arith.constant 0 : index
    %get3A_98 = vector.load %arg11[%get3A_96, %get3A_97] : memref<16x16xf32, #tpu.memory_space<vmem>>, vector<16x16xf32>
    %dot_general3A_99 = arith.constant dense<0.000000e+00> : vector<400x16xf32>
    %dot_general3A_100 = tpu.matmul %div3A_86, %get3A_98, %dot_general3A_99 {dimension_numbers = #tpu.dot_dimension_numbers<[1], [0], [0], [1], [0, 0, 1, 1], [], []>, transpose_lhs_hint = false} : vector<400x16xf32>, vector<16x16xf32>, vector<400x16xf32> -> vector<400x16xf32>
    %get3A_101 = arith.constant 0 : index
    %get3A_102 = arith.constant 0 : index
    %get3A_103 = vector.load %arg12[%get3A_101, %get3A_102] : memref<1x16xf32, #tpu.memory_space<vmem>>, vector<1x16xf32>
    %add3A_104 = vector.broadcast %get3A_103 : vector<1x16xf32> to vector<400x16xf32>
    %add3A_105 = arith.addf %dot_general3A_100, %add3A_104 : vector<400x16xf32>
    %get3A_106 = arith.constant 0 : index
    %get3A_107 = arith.constant 0 : index
    %get3A_108 = vector.load %arg13[%get3A_106, %get3A_107] : memref<16x16xf32, #tpu.memory_space<vmem>>, vector<16x16xf32>
    %dot_general3A_109 = arith.constant dense<0.000000e+00> : vector<400x16xf32>
    %dot_general3A_110 = tpu.matmul %div3A_86, %get3A_108, %dot_general3A_109 {dimension_numbers = #tpu.dot_dimension_numbers<[1], [0], [0], [1], [0, 0, 1, 1], [], []>, transpose_lhs_hint = false} : vector<400x16xf32>, vector<16x16xf32>, vector<400x16xf32> -> vector<400x16xf32>
    %get3A_111 = arith.constant 0 : index
    %get3A_112 = arith.constant 0 : index
    %get3A_113 = vector.load %arg14[%get3A_111, %get3A_112] : memref<1x16xf32, #tpu.memory_space<vmem>>, vector<1x16xf32>
    %add3A_114 = vector.broadcast %get3A_113 : vector<1x16xf32> to vector<400x16xf32>
    %add3A_115 = arith.addf %dot_general3A_110, %add3A_114 : vector<400x16xf32>
    %concatenate3A = tpu.concatenate %div3A_86, %add3A_95 in 1 : vector<400x16xf32>, vector<400x16xf32> -> vector<400x32xf32>
    %swap3A = arith.constant 0 : index
    %swap3A_116 = arith.constant 0 : index
    %swap3A_117 = vector.load %arg15[%swap3A, %swap3A_116] : memref<400x32xf32, #tpu.memory_space<vmem>>, vector<400x32xf32>
    tpu.vector_store %arg15[%swap3A, %swap3A_116], %concatenate3A {strides = array<i32>} : memref<400x32xf32, #tpu.memory_space<vmem>>, vector<400x32xf32>,
    %broadcast_in_dim3A = arith.constant 0.000000e+00 : f32
    %broadcast_in_dim3A_118 = vector.broadcast %broadcast_in_dim3A : f32 to vector<400x96xf32>
    %concatenate3A_119 = tpu.concatenate %add3A_105, %add3A_115, %broadcast_in_dim3A_118 in 1 : vector<400x16xf32>, vector<400x16xf32>, vector<400x96xf32> -> vector<400x128xf32>
    %swap3A_120 = arith.constant 0 : index
    %swap3A_121 = arith.constant 0 : index
    %swap3A_122 = vector.load %arg16[%swap3A_120, %swap3A_121] : memref<400x128xf32, #tpu.memory_space<vmem>>, vector<400x128xf32>
    tpu.vector_store %arg16[%swap3A_120, %swap3A_121], %concatenate3A_119 {strides = array<i32>} : memref<400x128xf32, #tpu.memory_space<vmem>>, vector<400x128xf32>,
    return
  }
  func.func @transform_0(%arg0: i32) -> (i32, i32) {
    %add3A = arith.constant 0 : i32
    %add3A_0 = arith.addi %add3A, %arg0 : i32
    %c0_i32 = arith.constant 0 : i32
    %c0_i32_1 = arith.constant 0 : i32
    return %add3A_0, %c0_i32 : i32, i32
  }
  func.func @transform_1(%arg0: i32) -> (i32, i32) {
    %add3A = arith.constant 25 : i32
    %add3A_0 = arith.addi %add3A, %arg0 : i32
    %c0_i32 = arith.constant 0 : i32
    %c0_i32_1 = arith.constant 0 : i32
    return %add3A_0, %c0_i32 : i32, i32
  }
  func.func @transform_2(%arg0: i32) -> (i32, i32) {
    %add3A = arith.constant 50 : i32
    %add3A_0 = arith.addi %add3A, %arg0 : i32
    %c0_i32 = arith.constant 0 : i32
    %c0_i32_1 = arith.constant 0 : i32
    return %add3A_0, %c0_i32 : i32, i32
  }
  func.func @transform_3(%arg0: i32) -> (i32, i32) {
    %add3A = arith.constant 75 : i32
    %add3A_0 = arith.addi %add3A, %arg0 : i32
    %c0_i32 = arith.constant 0 : i32
    %c0_i32_1 = arith.constant 0 : i32
    return %add3A_0, %c0_i32 : i32, i32
  }
  func.func @transform_4(%arg0: i32) -> (i32, i32) {
    %add3A = arith.constant 100 : i32
    %add3A_0 = arith.addi %add3A, %arg0 : i32
    %c0_i32 = arith.constant 0 : i32
    %c0_i32_1 = arith.constant 0 : i32
    return %add3A_0, %c0_i32 : i32, i32
  }
  func.func @transform_5(%arg0: i32) -> (i32, i32) {
    %add3A = arith.constant 125 : i32
    %add3A_0 = arith.addi %add3A, %arg0 : i32
    %c0_i32 = arith.constant 0 : i32
    %c0_i32_1 = arith.constant 0 : i32
    return %add3A_0, %c0_i32 : i32, i32
  }
  func.func @transform_6(%arg0: i32) -> (i32, i32) {
    %add3A = arith.constant 150 : i32
    %add3A_0 = arith.addi %add3A, %arg0 : i32
    %c0_i32 = arith.constant 0 : i32
    %c0_i32_1 = arith.constant 0 : i32
    return %add3A_0, %c0_i32 : i32, i32
  }
  func.func @transform_7(%arg0: i32) -> (i32, i32) {
    %add3A = arith.constant 175 : i32
    %add3A_0 = arith.addi %add3A, %arg0 : i32
    %c0_i32 = arith.constant 0 : i32
    %c0_i32_1 = arith.constant 0 : i32
    return %add3A_0, %c0_i32 : i32, i32
  }
  func.func @transform_8(%arg0: i32) -> (i32, i32) {
    %c0_i32 = arith.constant 0 : i32
    %c0_i32_0 = arith.constant 0 : i32
    %c0_i32_1 = arith.constant 0 : i32
    return %c0_i32, %c0_i32_0 : i32, i32
  }
  func.func @transform_9(%arg0: i32) -> (i32, i32) {
    %c0_i32 = arith.constant 0 : i32
    %c0_i32_0 = arith.constant 0 : i32
    %c0_i32_1 = arith.constant 0 : i32
    return %c0_i32, %c0_i32_0 : i32, i32
  }
  func.func @transform_10(%arg0: i32) -> (i32, i32) {
    %c0_i32 = arith.constant 0 : i32
    %c0_i32_0 = arith.constant 0 : i32
    %c0_i32_1 = arith.constant 0 : i32
    return %c0_i32, %c0_i32_0 : i32, i32
  }
  func.func @transform_11(%arg0: i32) -> (i32, i32) {
    %c0_i32 = arith.constant 0 : i32
    %c0_i32_0 = arith.constant 0 : i32
    %c0_i32_1 = arith.constant 0 : i32
    return %c0_i32, %c0_i32_0 : i32, i32
  }
  func.func @transform_12(%arg0: i32) -> (i32, i32) {
    %c0_i32 = arith.constant 0 : i32
    %c0_i32_0 = arith.constant 0 : i32
    %c0_i32_1 = arith.constant 0 : i32
    return %c0_i32, %c0_i32_0 : i32, i32
  }
  func.func @transform_13(%arg0: i32) -> (i32, i32) {
    %c0_i32 = arith.constant 0 : i32
    %c0_i32_0 = arith.constant 0 : i32
    %c0_i32_1 = arith.constant 0 : i32
    return %c0_i32, %c0_i32_0 : i32, i32
  }
  func.func @transform_14(%arg0: i32) -> (i32, i32) {
    %c0_i32 = arith.constant 0 : i32
    %c0_i32_0 = arith.constant 0 : i32
    return %arg0, %c0_i32 : i32, i32
  }
  func.func @transform_15(%arg0: i32) -> (i32, i32) {
    %c0_i32 = arith.constant 0 : i32
    %c0_i32_0 = arith.constant 0 : i32
    return %arg0, %c0_i32 : i32, i32
  }
}

module attributes {stable_mosaic.version = 14 : i64} {
  func.func @_mha_body(%arg0: i32, %arg1: memref<400x128xf32, #tpu.memory_space<vmem>>, %arg2: memref<400x128xf32, #tpu.memory_space<vmem>>, %arg3: memref<400x128xf32, #tpu.memory_space<vmem>>, %arg4: memref<400x128xf32, #tpu.memory_space<vmem>>, %arg5: memref<400x128xf32, #tpu.memory_space<vmem>>, %arg6: memref<400x128xf32, #tpu.memory_space<vmem>>, %arg7: memref<400x128xf32, #tpu.memory_space<vmem>>, %arg8: memref<400x128xf32, #tpu.memory_space<vmem>>, %arg9: memref<400x128xf32, #tpu.memory_space<vmem>>, %arg10: memref<400x128xf32, #tpu.memory_space<vmem>>, %arg11: memref<400x128xf32, #tpu.memory_space<vmem>>, %arg12: memref<400x128xf32, #tpu.memory_space<vmem>>, %arg13: memref<400x128xf32, #tpu.memory_space<vmem>>, %arg14: memref<400x128xf32, #tpu.memory_space<vmem>>, %arg15: memref<400x128xf32, #tpu.memory_space<vmem>>, %arg16: memref<400x128xf32, #tpu.memory_space<vmem>>, %arg17: memref<400x128xf32, #tpu.memory_space<vmem>>, %arg18: memref<400x128xf32, #tpu.memory_space<vmem>>, %arg19: memref<400x128xf32, #tpu.memory_space<vmem>>, %arg20: memref<400x128xf32, #tpu.memory_space<vmem>>, %arg21: memref<400x128xf32, #tpu.memory_space<vmem>>, %arg22: memref<400x128xf32, #tpu.memory_space<vmem>>, %arg23: memref<400x128xf32, #tpu.memory_space<vmem>>, %arg24: memref<400x128xf32, #tpu.memory_space<vmem>>, %arg25: memref<400x128xf32, #tpu.memory_space<vmem>>, %arg26: memref<400x128xf32, #tpu.memory_space<vmem>>, %arg27: memref<400x128xf32, #tpu.memory_space<vmem>>, %arg28: memref<400x32xf32, #tpu.memory_space<vmem>>, %arg29: memref<16x16xf32, #tpu.memory_space<vmem>>, %arg30: memref<1x16xf32, #tpu.memory_space<vmem>>, %arg31: memref<16x1xf32, #tpu.memory_space<vmem>>, %arg32: memref<400x1xf32, #tpu.memory_space<vmem>>) attributes {dimension_semantics = [#tpu.dimension_semantics<arbitrary>], iteration_bounds = array<i64: 25>, scalar_prefetch = 0 : i64, scratch_operands = 0 : i64, tpu.core_type = #tpu.core_type<tc>, window_params = [{transform_indices = @transform_0, window_bounds = array<i64: 400, 128>}, {transform_indices = @transform_1, window_bounds = array<i64: 400, 128>}, {transform_indices = @transform_2, window_bounds = array<i64: 400, 128>}, {transform_indices = @transform_3, window_bounds = array<i64: 400, 128>}, {transform_indices = @transform_4, window_bounds = array<i64: 400, 128>}, {transform_indices = @transform_5, window_bounds = array<i64: 400, 128>}, {transform_indices = @transform_6, window_bounds = array<i64: 400, 128>}, {transform_indices = @transform_7, window_bounds = array<i64: 400, 128>}, {transform_indices = @transform_8, window_bounds = array<i64: 400, 128>}, {transform_indices = @transform_9, window_bounds = array<i64: 400, 128>}, {transform_indices = @transform_10, window_bounds = array<i64: 400, 128>}, {transform_indices = @transform_11, window_bounds = array<i64: 400, 128>}, {transform_indices = @transform_12, window_bounds = array<i64: 400, 128>}, {transform_indices = @transform_13, window_bounds = array<i64: 400, 128>}, {transform_indices = @transform_14, window_bounds = array<i64: 400, 128>}, {transform_indices = @transform_15, window_bounds = array<i64: 400, 128>}, {transform_indices = @transform_16, window_bounds = array<i64: 400, 128>}, {transform_indices = @transform_17, window_bounds = array<i64: 400, 128>}, {transform_indices = @transform_18, window_bounds = array<i64: 400, 128>}, {transform_indices = @transform_19, window_bounds = array<i64: 400, 128>}, {transform_indices = @transform_20, window_bounds = array<i64: 400, 128>}, {transform_indices = @transform_21, window_bounds = array<i64: 400, 128>}, {transform_indices = @transform_22, window_bounds = array<i64: 400, 128>}, {transform_indices = @transform_23, window_bounds = array<i64: 400, 128>}, {transform_indices = @transform_24, window_bounds = array<i64: 400, 128>}, {transform_indices = @transform_25, window_bounds = array<i64: 400, 128>}, {transform_indices = @transform_26, window_bounds = array<i64: 400, 128>}, {transform_indices = @transform_27, window_bounds = array<i64: 400, 32>}, {pipeline_mode = #tpu.pipeline_mode<synchronous>, transform_indices = @transform_28, window_bounds = array<i64: 16, 16>}, {pipeline_mode = #tpu.pipeline_mode<synchronous>, transform_indices = @transform_29, window_bounds = array<i64: 1, 16>}, {pipeline_mode = #tpu.pipeline_mode<synchronous>, transform_indices = @transform_30, window_bounds = array<i64: 16, 1>}, {transform_indices = @transform_31, window_bounds = array<i64: 400, 1>}]} {
    %get3A = arith.constant 0 : index
    %get3A_0 = arith.constant 0 : index
    %get3A_1 = vector.load %arg1[%get3A, %get3A_0] : memref<400x128xf32, #tpu.memory_space<vmem>>, vector<400x128xf32>
    %get3A_2 = arith.constant 0 : index
    %get3A_3 = arith.constant 0 : index
    %get3A_4 = vector.load %arg2[%get3A_2, %get3A_3] : memref<400x128xf32, #tpu.memory_space<vmem>>, vector<400x128xf32>
    %get3A_5 = arith.constant 0 : index
    %get3A_6 = arith.constant 0 : index
    %get3A_7 = vector.load %arg3[%get3A_5, %get3A_6] : memref<400x128xf32, #tpu.memory_space<vmem>>, vector<400x128xf32>
    %get3A_8 = arith.constant 0 : index
    %get3A_9 = arith.constant 0 : index
    %get3A_10 = vector.load %arg4[%get3A_8, %get3A_9] : memref<400x128xf32, #tpu.memory_space<vmem>>, vector<400x128xf32>
    %get3A_11 = arith.constant 0 : index
    %get3A_12 = arith.constant 0 : index
    %get3A_13 = vector.load %arg5[%get3A_11, %get3A_12] : memref<400x128xf32, #tpu.memory_space<vmem>>, vector<400x128xf32>
    %get3A_14 = arith.constant 0 : index
    %get3A_15 = arith.constant 0 : index
    %get3A_16 = vector.load %arg6[%get3A_14, %get3A_15] : memref<400x128xf32, #tpu.memory_space<vmem>>, vector<400x128xf32>
    %get3A_17 = arith.constant 0 : index
    %get3A_18 = arith.constant 0 : index
    %get3A_19 = vector.load %arg7[%get3A_17, %get3A_18] : memref<400x128xf32, #tpu.memory_space<vmem>>, vector<400x128xf32>
    %get3A_20 = arith.constant 0 : index
    %get3A_21 = arith.constant 0 : index
    %get3A_22 = vector.load %arg8[%get3A_20, %get3A_21] : memref<400x128xf32, #tpu.memory_space<vmem>>, vector<400x128xf32>
    %get3A_23 = arith.constant 0 : index
    %get3A_24 = arith.constant 0 : index
    %get3A_25 = vector.load %arg9[%get3A_23, %get3A_24] : memref<400x128xf32, #tpu.memory_space<vmem>>, vector<400x128xf32>
    %get3A_26 = arith.constant 0 : index
    %get3A_27 = arith.constant 0 : index
    %get3A_28 = vector.load %arg10[%get3A_26, %get3A_27] : memref<400x128xf32, #tpu.memory_space<vmem>>, vector<400x128xf32>
    %get3A_29 = arith.constant 0 : index
    %get3A_30 = arith.constant 0 : index
    %get3A_31 = vector.load %arg11[%get3A_29, %get3A_30] : memref<400x128xf32, #tpu.memory_space<vmem>>, vector<400x128xf32>
    %get3A_32 = arith.constant 0 : index
    %get3A_33 = arith.constant 0 : index
    %get3A_34 = vector.load %arg12[%get3A_32, %get3A_33] : memref<400x128xf32, #tpu.memory_space<vmem>>, vector<400x128xf32>
    %get3A_35 = arith.constant 0 : index
    %get3A_36 = arith.constant 0 : index
    %get3A_37 = vector.load %arg13[%get3A_35, %get3A_36] : memref<400x128xf32, #tpu.memory_space<vmem>>, vector<400x128xf32>
    %get3A_38 = arith.constant 0 : index
    %get3A_39 = arith.constant 0 : index
    %get3A_40 = vector.load %arg14[%get3A_38, %get3A_39] : memref<400x128xf32, #tpu.memory_space<vmem>>, vector<400x128xf32>
    %get3A_41 = arith.constant 0 : index
    %get3A_42 = arith.constant 0 : index
    %get3A_43 = vector.load %arg15[%get3A_41, %get3A_42] : memref<400x128xf32, #tpu.memory_space<vmem>>, vector<400x128xf32>
    %get3A_44 = arith.constant 0 : index
    %get3A_45 = arith.constant 0 : index
    %get3A_46 = vector.load %arg16[%get3A_44, %get3A_45] : memref<400x128xf32, #tpu.memory_space<vmem>>, vector<400x128xf32>
    %get3A_47 = arith.constant 0 : index
    %get3A_48 = arith.constant 0 : index
    %get3A_49 = vector.load %arg17[%get3A_47, %get3A_48] : memref<400x128xf32, #tpu.memory_space<vmem>>, vector<400x128xf32>
    %get3A_50 = arith.constant 0 : index
    %get3A_51 = arith.constant 0 : index
    %get3A_52 = vector.load %arg18[%get3A_50, %get3A_51] : memref<400x128xf32, #tpu.memory_space<vmem>>, vector<400x128xf32>
    %get3A_53 = arith.constant 0 : index
    %get3A_54 = arith.constant 0 : index
    %get3A_55 = vector.load %arg19[%get3A_53, %get3A_54] : memref<400x128xf32, #tpu.memory_space<vmem>>, vector<400x128xf32>
    %get3A_56 = arith.constant 0 : index
    %get3A_57 = arith.constant 0 : index
    %get3A_58 = vector.load %arg20[%get3A_56, %get3A_57] : memref<400x128xf32, #tpu.memory_space<vmem>>, vector<400x128xf32>
    %get3A_59 = arith.constant 0 : index
    %get3A_60 = arith.constant 0 : index
    %get3A_61 = vector.load %arg21[%get3A_59, %get3A_60] : memref<400x128xf32, #tpu.memory_space<vmem>>, vector<400x128xf32>
    %get3A_62 = arith.constant 0 : index
    %get3A_63 = arith.constant 0 : index
    %get3A_64 = vector.load %arg22[%get3A_62, %get3A_63] : memref<400x128xf32, #tpu.memory_space<vmem>>, vector<400x128xf32>
    %get3A_65 = arith.constant 0 : index
    %get3A_66 = arith.constant 0 : index
    %get3A_67 = vector.load %arg23[%get3A_65, %get3A_66] : memref<400x128xf32, #tpu.memory_space<vmem>>, vector<400x128xf32>
    %get3A_68 = arith.constant 0 : index
    %get3A_69 = arith.constant 0 : index
    %get3A_70 = vector.load %arg24[%get3A_68, %get3A_69] : memref<400x128xf32, #tpu.memory_space<vmem>>, vector<400x128xf32>
    %get3A_71 = arith.constant 0 : index
    %get3A_72 = arith.constant 0 : index
    %get3A_73 = vector.load %arg25[%get3A_71, %get3A_72] : memref<400x128xf32, #tpu.memory_space<vmem>>, vector<400x128xf32>
    %get3A_74 = arith.constant 0 : index
    %get3A_75 = arith.constant 0 : index
    %get3A_76 = vector.load %arg26[%get3A_74, %get3A_75] : memref<400x128xf32, #tpu.memory_space<vmem>>, vector<400x128xf32>
    %get3A_77 = arith.constant 0 : index
    %get3A_78 = arith.constant 0 : index
    %get3A_79 = vector.load %arg27[%get3A_77, %get3A_78] : memref<400x128xf32, #tpu.memory_space<vmem>>, vector<400x128xf32>
    %get3A_80 = arith.constant 0 : index
    %get3A_81 = arith.constant 0 : index
    %get3A_82 = vector.load %arg28[%get3A_80, %get3A_81] : memref<400x32xf32, #tpu.memory_space<vmem>>, vector<400x32xf32>
    %slice3A = vector.extract_strided_slice %get3A_82 {offsets = [0, 16], sizes = [400, 16], strides = [1, 1]} : vector<400x32xf32> to vector<400x16xf32>
    %slice3A_83 = vector.extract_strided_slice %get3A_1 {offsets = [0, 0], sizes = [400, 16], strides = [1, 1]} : vector<400x128xf32> to vector<400x16xf32>
    %mul3A = arith.mulf %slice3A, %slice3A_83 : vector<400x16xf32>
    %slice3A_84 = vector.extract_strided_slice %get3A_4 {offsets = [0, 0], sizes = [400, 16], strides = [1, 1]} : vector<400x128xf32> to vector<400x16xf32>
    %mul3A_85 = arith.mulf %slice3A, %slice3A_84 : vector<400x16xf32>
    %slice3A_86 = vector.extract_strided_slice %get3A_7 {offsets = [0, 0], sizes = [400, 16], strides = [1, 1]} : vector<400x128xf32> to vector<400x16xf32>
    %mul3A_87 = arith.mulf %slice3A, %slice3A_86 : vector<400x16xf32>
    %slice3A_88 = vector.extract_strided_slice %get3A_10 {offsets = [0, 0], sizes = [400, 16], strides = [1, 1]} : vector<400x128xf32> to vector<400x16xf32>
    %mul3A_89 = arith.mulf %slice3A, %slice3A_88 : vector<400x16xf32>
    %slice3A_90 = vector.extract_strided_slice %get3A_13 {offsets = [0, 0], sizes = [400, 16], strides = [1, 1]} : vector<400x128xf32> to vector<400x16xf32>
    %mul3A_91 = arith.mulf %slice3A, %slice3A_90 : vector<400x16xf32>
    %slice3A_92 = vector.extract_strided_slice %get3A_16 {offsets = [0, 0], sizes = [400, 16], strides = [1, 1]} : vector<400x128xf32> to vector<400x16xf32>
    %mul3A_93 = arith.mulf %slice3A, %slice3A_92 : vector<400x16xf32>
    %slice3A_94 = vector.extract_strided_slice %get3A_19 {offsets = [0, 0], sizes = [400, 16], strides = [1, 1]} : vector<400x128xf32> to vector<400x16xf32>
    %mul3A_95 = arith.mulf %slice3A, %slice3A_94 : vector<400x16xf32>
    %slice3A_96 = vector.extract_strided_slice %get3A_22 {offsets = [0, 0], sizes = [400, 16], strides = [1, 1]} : vector<400x128xf32> to vector<400x16xf32>
    %mul3A_97 = arith.mulf %slice3A, %slice3A_96 : vector<400x16xf32>
    %slice3A_98 = vector.extract_strided_slice %get3A_25 {offsets = [0, 0], sizes = [400, 16], strides = [1, 1]} : vector<400x128xf32> to vector<400x16xf32>
    %mul3A_99 = arith.mulf %slice3A, %slice3A_98 : vector<400x16xf32>
    %slice3A_100 = vector.extract_strided_slice %get3A_28 {offsets = [0, 0], sizes = [400, 16], strides = [1, 1]} : vector<400x128xf32> to vector<400x16xf32>
    %mul3A_101 = arith.mulf %slice3A, %slice3A_100 : vector<400x16xf32>
    %slice3A_102 = vector.extract_strided_slice %get3A_31 {offsets = [0, 0], sizes = [400, 16], strides = [1, 1]} : vector<400x128xf32> to vector<400x16xf32>
    %mul3A_103 = arith.mulf %slice3A, %slice3A_102 : vector<400x16xf32>
    %slice3A_104 = vector.extract_strided_slice %get3A_34 {offsets = [0, 0], sizes = [400, 16], strides = [1, 1]} : vector<400x128xf32> to vector<400x16xf32>
    %mul3A_105 = arith.mulf %slice3A, %slice3A_104 : vector<400x16xf32>
    %slice3A_106 = vector.extract_strided_slice %get3A_37 {offsets = [0, 0], sizes = [400, 16], strides = [1, 1]} : vector<400x128xf32> to vector<400x16xf32>
    %mul3A_107 = arith.mulf %slice3A, %slice3A_106 : vector<400x16xf32>
    %slice3A_108 = vector.extract_strided_slice %get3A_40 {offsets = [0, 0], sizes = [400, 16], strides = [1, 1]} : vector<400x128xf32> to vector<400x16xf32>
    %mul3A_109 = arith.mulf %slice3A, %slice3A_108 : vector<400x16xf32>
    %slice3A_110 = vector.extract_strided_slice %get3A_43 {offsets = [0, 0], sizes = [400, 16], strides = [1, 1]} : vector<400x128xf32> to vector<400x16xf32>
    %mul3A_111 = arith.mulf %slice3A, %slice3A_110 : vector<400x16xf32>
    %slice3A_112 = vector.extract_strided_slice %get3A_46 {offsets = [0, 0], sizes = [400, 16], strides = [1, 1]} : vector<400x128xf32> to vector<400x16xf32>
    %mul3A_113 = arith.mulf %slice3A, %slice3A_112 : vector<400x16xf32>
    %slice3A_114 = vector.extract_strided_slice %get3A_49 {offsets = [0, 0], sizes = [400, 16], strides = [1, 1]} : vector<400x128xf32> to vector<400x16xf32>
    %mul3A_115 = arith.mulf %slice3A, %slice3A_114 : vector<400x16xf32>
    %slice3A_116 = vector.extract_strided_slice %get3A_52 {offsets = [0, 0], sizes = [400, 16], strides = [1, 1]} : vector<400x128xf32> to vector<400x16xf32>
    %mul3A_117 = arith.mulf %slice3A, %slice3A_116 : vector<400x16xf32>
    %slice3A_118 = vector.extract_strided_slice %get3A_55 {offsets = [0, 0], sizes = [400, 16], strides = [1, 1]} : vector<400x128xf32> to vector<400x16xf32>
    %mul3A_119 = arith.mulf %slice3A, %slice3A_118 : vector<400x16xf32>
    %slice3A_120 = vector.extract_strided_slice %get3A_58 {offsets = [0, 0], sizes = [400, 16], strides = [1, 1]} : vector<400x128xf32> to vector<400x16xf32>
    %mul3A_121 = arith.mulf %slice3A, %slice3A_120 : vector<400x16xf32>
    %slice3A_122 = vector.extract_strided_slice %get3A_61 {offsets = [0, 0], sizes = [400, 16], strides = [1, 1]} : vector<400x128xf32> to vector<400x16xf32>
    %mul3A_123 = arith.mulf %slice3A, %slice3A_122 : vector<400x16xf32>
    %slice3A_124 = vector.extract_strided_slice %get3A_64 {offsets = [0, 0], sizes = [400, 16], strides = [1, 1]} : vector<400x128xf32> to vector<400x16xf32>
    %mul3A_125 = arith.mulf %slice3A, %slice3A_124 : vector<400x16xf32>
    %slice3A_126 = vector.extract_strided_slice %get3A_67 {offsets = [0, 0], sizes = [400, 16], strides = [1, 1]} : vector<400x128xf32> to vector<400x16xf32>
    %mul3A_127 = arith.mulf %slice3A, %slice3A_126 : vector<400x16xf32>
    %slice3A_128 = vector.extract_strided_slice %get3A_70 {offsets = [0, 0], sizes = [400, 16], strides = [1, 1]} : vector<400x128xf32> to vector<400x16xf32>
    %mul3A_129 = arith.mulf %slice3A, %slice3A_128 : vector<400x16xf32>
    %slice3A_130 = vector.extract_strided_slice %get3A_73 {offsets = [0, 0], sizes = [400, 16], strides = [1, 1]} : vector<400x128xf32> to vector<400x16xf32>
    %mul3A_131 = arith.mulf %slice3A, %slice3A_130 : vector<400x16xf32>
    %slice3A_132 = vector.extract_strided_slice %get3A_76 {offsets = [0, 0], sizes = [400, 16], strides = [1, 1]} : vector<400x128xf32> to vector<400x16xf32>
    %mul3A_133 = arith.mulf %slice3A, %slice3A_132 : vector<400x16xf32>
    %slice3A_134 = vector.extract_strided_slice %get3A_79 {offsets = [0, 0], sizes = [400, 16], strides = [1, 1]} : vector<400x128xf32> to vector<400x16xf32>
    %mul3A_135 = arith.mulf %slice3A, %slice3A_134 : vector<400x16xf32>
    %max3A = arith.maximumf %mul3A, %mul3A_85 : vector<400x16xf32>
    %max3A_136 = arith.maximumf %max3A, %mul3A_87 : vector<400x16xf32>
    %max3A_137 = arith.maximumf %max3A_136, %mul3A_89 : vector<400x16xf32>
    %max3A_138 = arith.maximumf %max3A_137, %mul3A_91 : vector<400x16xf32>
    %max3A_139 = arith.maximumf %max3A_138, %mul3A_93 : vector<400x16xf32>
    %max3A_140 = arith.maximumf %max3A_139, %mul3A_95 : vector<400x16xf32>
    %max3A_141 = arith.maximumf %max3A_140, %mul3A_97 : vector<400x16xf32>
    %max3A_142 = arith.maximumf %max3A_141, %mul3A_99 : vector<400x16xf32>
    %max3A_143 = arith.maximumf %max3A_142, %mul3A_101 : vector<400x16xf32>
    %max3A_144 = arith.maximumf %max3A_143, %mul3A_103 : vector<400x16xf32>
    %max3A_145 = arith.maximumf %max3A_144, %mul3A_105 : vector<400x16xf32>
    %max3A_146 = arith.maximumf %max3A_145, %mul3A_107 : vector<400x16xf32>
    %max3A_147 = arith.maximumf %max3A_146, %mul3A_109 : vector<400x16xf32>
    %max3A_148 = arith.maximumf %max3A_147, %mul3A_111 : vector<400x16xf32>
    %max3A_149 = arith.maximumf %max3A_148, %mul3A_113 : vector<400x16xf32>
    %max3A_150 = arith.maximumf %max3A_149, %mul3A_115 : vector<400x16xf32>
    %max3A_151 = arith.maximumf %max3A_150, %mul3A_117 : vector<400x16xf32>
    %max3A_152 = arith.maximumf %max3A_151, %mul3A_119 : vector<400x16xf32>
    %max3A_153 = arith.maximumf %max3A_152, %mul3A_121 : vector<400x16xf32>
    %max3A_154 = arith.maximumf %max3A_153, %mul3A_123 : vector<400x16xf32>
    %max3A_155 = arith.maximumf %max3A_154, %mul3A_125 : vector<400x16xf32>
    %max3A_156 = arith.maximumf %max3A_155, %mul3A_127 : vector<400x16xf32>
    %max3A_157 = arith.maximumf %max3A_156, %mul3A_129 : vector<400x16xf32>
    %max3A_158 = arith.maximumf %max3A_157, %mul3A_131 : vector<400x16xf32>
    %max3A_159 = arith.maximumf %max3A_158, %mul3A_133 : vector<400x16xf32>
    %max3A_160 = arith.maximumf %max3A_159, %mul3A_135 : vector<400x16xf32>
    %sub3A = arith.subf %mul3A, %max3A_160 : vector<400x16xf32>
    %exp3A = math.exp %sub3A : vector<400x16xf32>
    %sub3A_161 = arith.subf %mul3A_85, %max3A_160 : vector<400x16xf32>
    %exp3A_162 = math.exp %sub3A_161 : vector<400x16xf32>
    %sub3A_163 = arith.subf %mul3A_87, %max3A_160 : vector<400x16xf32>
    %exp3A_164 = math.exp %sub3A_163 : vector<400x16xf32>
    %sub3A_165 = arith.subf %mul3A_89, %max3A_160 : vector<400x16xf32>
    %exp3A_166 = math.exp %sub3A_165 : vector<400x16xf32>
    %sub3A_167 = arith.subf %mul3A_91, %max3A_160 : vector<400x16xf32>
    %exp3A_168 = math.exp %sub3A_167 : vector<400x16xf32>
    %sub3A_169 = arith.subf %mul3A_93, %max3A_160 : vector<400x16xf32>
    %exp3A_170 = math.exp %sub3A_169 : vector<400x16xf32>
    %sub3A_171 = arith.subf %mul3A_95, %max3A_160 : vector<400x16xf32>
    %exp3A_172 = math.exp %sub3A_171 : vector<400x16xf32>
    %sub3A_173 = arith.subf %mul3A_97, %max3A_160 : vector<400x16xf32>
    %exp3A_174 = math.exp %sub3A_173 : vector<400x16xf32>
    %sub3A_175 = arith.subf %mul3A_99, %max3A_160 : vector<400x16xf32>
    %exp3A_176 = math.exp %sub3A_175 : vector<400x16xf32>
    %sub3A_177 = arith.subf %mul3A_101, %max3A_160 : vector<400x16xf32>
    %exp3A_178 = math.exp %sub3A_177 : vector<400x16xf32>
    %sub3A_179 = arith.subf %mul3A_103, %max3A_160 : vector<400x16xf32>
    %exp3A_180 = math.exp %sub3A_179 : vector<400x16xf32>
    %sub3A_181 = arith.subf %mul3A_105, %max3A_160 : vector<400x16xf32>
    %exp3A_182 = math.exp %sub3A_181 : vector<400x16xf32>
    %sub3A_183 = arith.subf %mul3A_107, %max3A_160 : vector<400x16xf32>
    %exp3A_184 = math.exp %sub3A_183 : vector<400x16xf32>
    %sub3A_185 = arith.subf %mul3A_109, %max3A_160 : vector<400x16xf32>
    %exp3A_186 = math.exp %sub3A_185 : vector<400x16xf32>
    %sub3A_187 = arith.subf %mul3A_111, %max3A_160 : vector<400x16xf32>
    %exp3A_188 = math.exp %sub3A_187 : vector<400x16xf32>
    %sub3A_189 = arith.subf %mul3A_113, %max3A_160 : vector<400x16xf32>
    %exp3A_190 = math.exp %sub3A_189 : vector<400x16xf32>
    %sub3A_191 = arith.subf %mul3A_115, %max3A_160 : vector<400x16xf32>
    %exp3A_192 = math.exp %sub3A_191 : vector<400x16xf32>
    %sub3A_193 = arith.subf %mul3A_117, %max3A_160 : vector<400x16xf32>
    %exp3A_194 = math.exp %sub3A_193 : vector<400x16xf32>
    %sub3A_195 = arith.subf %mul3A_119, %max3A_160 : vector<400x16xf32>
    %exp3A_196 = math.exp %sub3A_195 : vector<400x16xf32>
    %sub3A_197 = arith.subf %mul3A_121, %max3A_160 : vector<400x16xf32>
    %exp3A_198 = math.exp %sub3A_197 : vector<400x16xf32>
    %sub3A_199 = arith.subf %mul3A_123, %max3A_160 : vector<400x16xf32>
    %exp3A_200 = math.exp %sub3A_199 : vector<400x16xf32>
    %sub3A_201 = arith.subf %mul3A_125, %max3A_160 : vector<400x16xf32>
    %exp3A_202 = math.exp %sub3A_201 : vector<400x16xf32>
    %sub3A_203 = arith.subf %mul3A_127, %max3A_160 : vector<400x16xf32>
    %exp3A_204 = math.exp %sub3A_203 : vector<400x16xf32>
    %sub3A_205 = arith.subf %mul3A_129, %max3A_160 : vector<400x16xf32>
    %exp3A_206 = math.exp %sub3A_205 : vector<400x16xf32>
    %sub3A_207 = arith.subf %mul3A_131, %max3A_160 : vector<400x16xf32>
    %exp3A_208 = math.exp %sub3A_207 : vector<400x16xf32>
    %sub3A_209 = arith.subf %mul3A_133, %max3A_160 : vector<400x16xf32>
    %exp3A_210 = math.exp %sub3A_209 : vector<400x16xf32>
    %sub3A_211 = arith.subf %mul3A_135, %max3A_160 : vector<400x16xf32>
    %exp3A_212 = math.exp %sub3A_211 : vector<400x16xf32>
    %add3A = arith.addf %exp3A, %exp3A_162 : vector<400x16xf32>
    %add3A_213 = arith.addf %add3A, %exp3A_164 : vector<400x16xf32>
    %add3A_214 = arith.addf %add3A_213, %exp3A_166 : vector<400x16xf32>
    %add3A_215 = arith.addf %add3A_214, %exp3A_168 : vector<400x16xf32>
    %add3A_216 = arith.addf %add3A_215, %exp3A_170 : vector<400x16xf32>
    %add3A_217 = arith.addf %add3A_216, %exp3A_172 : vector<400x16xf32>
    %add3A_218 = arith.addf %add3A_217, %exp3A_174 : vector<400x16xf32>
    %add3A_219 = arith.addf %add3A_218, %exp3A_176 : vector<400x16xf32>
    %add3A_220 = arith.addf %add3A_219, %exp3A_178 : vector<400x16xf32>
    %add3A_221 = arith.addf %add3A_220, %exp3A_180 : vector<400x16xf32>
    %add3A_222 = arith.addf %add3A_221, %exp3A_182 : vector<400x16xf32>
    %add3A_223 = arith.addf %add3A_222, %exp3A_184 : vector<400x16xf32>
    %add3A_224 = arith.addf %add3A_223, %exp3A_186 : vector<400x16xf32>
    %add3A_225 = arith.addf %add3A_224, %exp3A_188 : vector<400x16xf32>
    %add3A_226 = arith.addf %add3A_225, %exp3A_190 : vector<400x16xf32>
    %add3A_227 = arith.addf %add3A_226, %exp3A_192 : vector<400x16xf32>
    %add3A_228 = arith.addf %add3A_227, %exp3A_194 : vector<400x16xf32>
    %add3A_229 = arith.addf %add3A_228, %exp3A_196 : vector<400x16xf32>
    %add3A_230 = arith.addf %add3A_229, %exp3A_198 : vector<400x16xf32>
    %add3A_231 = arith.addf %add3A_230, %exp3A_200 : vector<400x16xf32>
    %add3A_232 = arith.addf %add3A_231, %exp3A_202 : vector<400x16xf32>
    %add3A_233 = arith.addf %add3A_232, %exp3A_204 : vector<400x16xf32>
    %add3A_234 = arith.addf %add3A_233, %exp3A_206 : vector<400x16xf32>
    %add3A_235 = arith.addf %add3A_234, %exp3A_208 : vector<400x16xf32>
    %add3A_236 = arith.addf %add3A_235, %exp3A_210 : vector<400x16xf32>
    %add3A_237 = arith.addf %add3A_236, %exp3A_212 : vector<400x16xf32>
    %slice3A_238 = vector.extract_strided_slice %get3A_1 {offsets = [0, 16], sizes = [400, 16], strides = [1, 1]} : vector<400x128xf32> to vector<400x16xf32>
    %mul3A_239 = arith.mulf %exp3A, %slice3A_238 : vector<400x16xf32>
    %slice3A_240 = vector.extract_strided_slice %get3A_4 {offsets = [0, 16], sizes = [400, 16], strides = [1, 1]} : vector<400x128xf32> to vector<400x16xf32>
    %mul3A_241 = arith.mulf %exp3A_162, %slice3A_240 : vector<400x16xf32>
    %add3A_242 = arith.addf %mul3A_239, %mul3A_241 : vector<400x16xf32>
    %slice3A_243 = vector.extract_strided_slice %get3A_7 {offsets = [0, 16], sizes = [400, 16], strides = [1, 1]} : vector<400x128xf32> to vector<400x16xf32>
    %mul3A_244 = arith.mulf %exp3A_164, %slice3A_243 : vector<400x16xf32>
    %add3A_245 = arith.addf %add3A_242, %mul3A_244 : vector<400x16xf32>
    %slice3A_246 = vector.extract_strided_slice %get3A_10 {offsets = [0, 16], sizes = [400, 16], strides = [1, 1]} : vector<400x128xf32> to vector<400x16xf32>
    %mul3A_247 = arith.mulf %exp3A_166, %slice3A_246 : vector<400x16xf32>
    %add3A_248 = arith.addf %add3A_245, %mul3A_247 : vector<400x16xf32>
    %slice3A_249 = vector.extract_strided_slice %get3A_13 {offsets = [0, 16], sizes = [400, 16], strides = [1, 1]} : vector<400x128xf32> to vector<400x16xf32>
    %mul3A_250 = arith.mulf %exp3A_168, %slice3A_249 : vector<400x16xf32>
    %add3A_251 = arith.addf %add3A_248, %mul3A_250 : vector<400x16xf32>
    %slice3A_252 = vector.extract_strided_slice %get3A_16 {offsets = [0, 16], sizes = [400, 16], strides = [1, 1]} : vector<400x128xf32> to vector<400x16xf32>
    %mul3A_253 = arith.mulf %exp3A_170, %slice3A_252 : vector<400x16xf32>
    %add3A_254 = arith.addf %add3A_251, %mul3A_253 : vector<400x16xf32>
    %slice3A_255 = vector.extract_strided_slice %get3A_19 {offsets = [0, 16], sizes = [400, 16], strides = [1, 1]} : vector<400x128xf32> to vector<400x16xf32>
    %mul3A_256 = arith.mulf %exp3A_172, %slice3A_255 : vector<400x16xf32>
    %add3A_257 = arith.addf %add3A_254, %mul3A_256 : vector<400x16xf32>
    %slice3A_258 = vector.extract_strided_slice %get3A_22 {offsets = [0, 16], sizes = [400, 16], strides = [1, 1]} : vector<400x128xf32> to vector<400x16xf32>
    %mul3A_259 = arith.mulf %exp3A_174, %slice3A_258 : vector<400x16xf32>
    %add3A_260 = arith.addf %add3A_257, %mul3A_259 : vector<400x16xf32>
    %slice3A_261 = vector.extract_strided_slice %get3A_25 {offsets = [0, 16], sizes = [400, 16], strides = [1, 1]} : vector<400x128xf32> to vector<400x16xf32>
    %mul3A_262 = arith.mulf %exp3A_176, %slice3A_261 : vector<400x16xf32>
    %add3A_263 = arith.addf %add3A_260, %mul3A_262 : vector<400x16xf32>
    %slice3A_264 = vector.extract_strided_slice %get3A_28 {offsets = [0, 16], sizes = [400, 16], strides = [1, 1]} : vector<400x128xf32> to vector<400x16xf32>
    %mul3A_265 = arith.mulf %exp3A_178, %slice3A_264 : vector<400x16xf32>
    %add3A_266 = arith.addf %add3A_263, %mul3A_265 : vector<400x16xf32>
    %slice3A_267 = vector.extract_strided_slice %get3A_31 {offsets = [0, 16], sizes = [400, 16], strides = [1, 1]} : vector<400x128xf32> to vector<400x16xf32>
    %mul3A_268 = arith.mulf %exp3A_180, %slice3A_267 : vector<400x16xf32>
    %add3A_269 = arith.addf %add3A_266, %mul3A_268 : vector<400x16xf32>
    %slice3A_270 = vector.extract_strided_slice %get3A_34 {offsets = [0, 16], sizes = [400, 16], strides = [1, 1]} : vector<400x128xf32> to vector<400x16xf32>
    %mul3A_271 = arith.mulf %exp3A_182, %slice3A_270 : vector<400x16xf32>
    %add3A_272 = arith.addf %add3A_269, %mul3A_271 : vector<400x16xf32>
    %slice3A_273 = vector.extract_strided_slice %get3A_37 {offsets = [0, 16], sizes = [400, 16], strides = [1, 1]} : vector<400x128xf32> to vector<400x16xf32>
    %mul3A_274 = arith.mulf %exp3A_184, %slice3A_273 : vector<400x16xf32>
    %add3A_275 = arith.addf %add3A_272, %mul3A_274 : vector<400x16xf32>
    %slice3A_276 = vector.extract_strided_slice %get3A_40 {offsets = [0, 16], sizes = [400, 16], strides = [1, 1]} : vector<400x128xf32> to vector<400x16xf32>
    %mul3A_277 = arith.mulf %exp3A_186, %slice3A_276 : vector<400x16xf32>
    %add3A_278 = arith.addf %add3A_275, %mul3A_277 : vector<400x16xf32>
    %slice3A_279 = vector.extract_strided_slice %get3A_43 {offsets = [0, 16], sizes = [400, 16], strides = [1, 1]} : vector<400x128xf32> to vector<400x16xf32>
    %mul3A_280 = arith.mulf %exp3A_188, %slice3A_279 : vector<400x16xf32>
    %add3A_281 = arith.addf %add3A_278, %mul3A_280 : vector<400x16xf32>
    %slice3A_282 = vector.extract_strided_slice %get3A_46 {offsets = [0, 16], sizes = [400, 16], strides = [1, 1]} : vector<400x128xf32> to vector<400x16xf32>
    %mul3A_283 = arith.mulf %exp3A_190, %slice3A_282 : vector<400x16xf32>
    %add3A_284 = arith.addf %add3A_281, %mul3A_283 : vector<400x16xf32>
    %slice3A_285 = vector.extract_strided_slice %get3A_49 {offsets = [0, 16], sizes = [400, 16], strides = [1, 1]} : vector<400x128xf32> to vector<400x16xf32>
    %mul3A_286 = arith.mulf %exp3A_192, %slice3A_285 : vector<400x16xf32>
    %add3A_287 = arith.addf %add3A_284, %mul3A_286 : vector<400x16xf32>
    %slice3A_288 = vector.extract_strided_slice %get3A_52 {offsets = [0, 16], sizes = [400, 16], strides = [1, 1]} : vector<400x128xf32> to vector<400x16xf32>
    %mul3A_289 = arith.mulf %exp3A_194, %slice3A_288 : vector<400x16xf32>
    %add3A_290 = arith.addf %add3A_287, %mul3A_289 : vector<400x16xf32>
    %slice3A_291 = vector.extract_strided_slice %get3A_55 {offsets = [0, 16], sizes = [400, 16], strides = [1, 1]} : vector<400x128xf32> to vector<400x16xf32>
    %mul3A_292 = arith.mulf %exp3A_196, %slice3A_291 : vector<400x16xf32>
    %add3A_293 = arith.addf %add3A_290, %mul3A_292 : vector<400x16xf32>
    %slice3A_294 = vector.extract_strided_slice %get3A_58 {offsets = [0, 16], sizes = [400, 16], strides = [1, 1]} : vector<400x128xf32> to vector<400x16xf32>
    %mul3A_295 = arith.mulf %exp3A_198, %slice3A_294 : vector<400x16xf32>
    %add3A_296 = arith.addf %add3A_293, %mul3A_295 : vector<400x16xf32>
    %slice3A_297 = vector.extract_strided_slice %get3A_61 {offsets = [0, 16], sizes = [400, 16], strides = [1, 1]} : vector<400x128xf32> to vector<400x16xf32>
    %mul3A_298 = arith.mulf %exp3A_200, %slice3A_297 : vector<400x16xf32>
    %add3A_299 = arith.addf %add3A_296, %mul3A_298 : vector<400x16xf32>
    %slice3A_300 = vector.extract_strided_slice %get3A_64 {offsets = [0, 16], sizes = [400, 16], strides = [1, 1]} : vector<400x128xf32> to vector<400x16xf32>
    %mul3A_301 = arith.mulf %exp3A_202, %slice3A_300 : vector<400x16xf32>
    %add3A_302 = arith.addf %add3A_299, %mul3A_301 : vector<400x16xf32>
    %slice3A_303 = vector.extract_strided_slice %get3A_67 {offsets = [0, 16], sizes = [400, 16], strides = [1, 1]} : vector<400x128xf32> to vector<400x16xf32>
    %mul3A_304 = arith.mulf %exp3A_204, %slice3A_303 : vector<400x16xf32>
    %add3A_305 = arith.addf %add3A_302, %mul3A_304 : vector<400x16xf32>
    %slice3A_306 = vector.extract_strided_slice %get3A_70 {offsets = [0, 16], sizes = [400, 16], strides = [1, 1]} : vector<400x128xf32> to vector<400x16xf32>
    %mul3A_307 = arith.mulf %exp3A_206, %slice3A_306 : vector<400x16xf32>
    %add3A_308 = arith.addf %add3A_305, %mul3A_307 : vector<400x16xf32>
    %slice3A_309 = vector.extract_strided_slice %get3A_73 {offsets = [0, 16], sizes = [400, 16], strides = [1, 1]} : vector<400x128xf32> to vector<400x16xf32>
    %mul3A_310 = arith.mulf %exp3A_208, %slice3A_309 : vector<400x16xf32>
    %add3A_311 = arith.addf %add3A_308, %mul3A_310 : vector<400x16xf32>
    %slice3A_312 = vector.extract_strided_slice %get3A_76 {offsets = [0, 16], sizes = [400, 16], strides = [1, 1]} : vector<400x128xf32> to vector<400x16xf32>
    %mul3A_313 = arith.mulf %exp3A_210, %slice3A_312 : vector<400x16xf32>
    %add3A_314 = arith.addf %add3A_311, %mul3A_313 : vector<400x16xf32>
    %slice3A_315 = vector.extract_strided_slice %get3A_79 {offsets = [0, 16], sizes = [400, 16], strides = [1, 1]} : vector<400x128xf32> to vector<400x16xf32>
    %mul3A_316 = arith.mulf %exp3A_212, %slice3A_315 : vector<400x16xf32>
    %add3A_317 = arith.addf %add3A_314, %mul3A_316 : vector<400x16xf32>
    %div3A = arith.divf %add3A_317, %add3A_237 : vector<400x16xf32>
    %slice3A_318 = vector.extract_strided_slice %get3A_82 {offsets = [0, 0], sizes = [400, 16], strides = [1, 1]} : vector<400x32xf32> to vector<400x16xf32>
    %get3A_319 = arith.constant 0 : index
    %get3A_320 = arith.constant 0 : index
    %get3A_321 = vector.load %arg29[%get3A_319, %get3A_320] : memref<16x16xf32, #tpu.memory_space<vmem>>, vector<16x16xf32>
    %dot_general3A = arith.constant dense<0.000000e+00> : vector<400x16xf32>
    %dot_general3A_322 = tpu.matmul %div3A, %get3A_321, %dot_general3A {dimension_numbers = #tpu.dot_dimension_numbers<[1], [0], [0], [1], [0, 0, 1, 1], [], []>, transpose_lhs_hint = false} : vector<400x16xf32>, vector<16x16xf32>, vector<400x16xf32> -> vector<400x16xf32>
    %add3A_323 = arith.addf %slice3A_318, %dot_general3A_322 : vector<400x16xf32>
    %get3A_324 = arith.constant 0 : index
    %get3A_325 = arith.constant 0 : index
    %get3A_326 = vector.load %arg30[%get3A_324, %get3A_325] : memref<1x16xf32, #tpu.memory_space<vmem>>, vector<1x16xf32>
    %add3A_327 = vector.broadcast %get3A_326 : vector<1x16xf32> to vector<400x16xf32>
    %add3A_328 = arith.addf %add3A_323, %add3A_327 : vector<400x16xf32>
    %get3A_329 = arith.constant 0 : index
    %get3A_330 = arith.constant 0 : index
    %get3A_331 = vector.load %arg31[%get3A_329, %get3A_330] : memref<16x1xf32, #tpu.memory_space<vmem>>, vector<16x1xf32>
    %dot_general3A_332 = arith.constant dense<0.000000e+00> : vector<400x1xf32>
    %dot_general3A_333 = tpu.matmul %add3A_328, %get3A_331, %dot_general3A_332 {dimension_numbers = #tpu.dot_dimension_numbers<[1], [0], [0], [1], [0, 0, 1, 1], [], []>, transpose_lhs_hint = false} : vector<400x16xf32>, vector<16x1xf32>, vector<400x1xf32> -> vector<400x1xf32>
    %swap3A = arith.constant 0 : index
    %swap3A_334 = arith.constant 0 : index
    %swap3A_335 = vector.load %arg32[%swap3A, %swap3A_334] : memref<400x1xf32, #tpu.memory_space<vmem>>, vector<400x1xf32>
    tpu.vector_store %arg32[%swap3A, %swap3A_334], %dot_general3A_333 {strides = array<i32>} : memref<400x1xf32, #tpu.memory_space<vmem>>, vector<400x1xf32>,
    return
  }
  func.func @transform_0(%arg0: i32) -> (i32, i32) {
    %add3A = arith.constant 0 : i32
    %add3A_0 = arith.addi %add3A, %arg0 : i32
    %c0_i32 = arith.constant 0 : i32
    %c0_i32_1 = arith.constant 0 : i32
    return %add3A_0, %c0_i32 : i32, i32
  }
  func.func @transform_1(%arg0: i32) -> (i32, i32) {
    %add3A = arith.constant 25 : i32
    %add3A_0 = arith.addi %add3A, %arg0 : i32
    %c0_i32 = arith.constant 0 : i32
    %c0_i32_1 = arith.constant 0 : i32
    return %add3A_0, %c0_i32 : i32, i32
  }
  func.func @transform_2(%arg0: i32) -> (i32, i32) {
    %add3A = arith.constant 50 : i32
    %add3A_0 = arith.addi %add3A, %arg0 : i32
    %c0_i32 = arith.constant 0 : i32
    %c0_i32_1 = arith.constant 0 : i32
    return %add3A_0, %c0_i32 : i32, i32
  }
  func.func @transform_3(%arg0: i32) -> (i32, i32) {
    %add3A = arith.constant 75 : i32
    %add3A_0 = arith.addi %add3A, %arg0 : i32
    %c0_i32 = arith.constant 0 : i32
    %c0_i32_1 = arith.constant 0 : i32
    return %add3A_0, %c0_i32 : i32, i32
  }
  func.func @transform_4(%arg0: i32) -> (i32, i32) {
    %add3A = arith.constant 100 : i32
    %add3A_0 = arith.addi %add3A, %arg0 : i32
    %c0_i32 = arith.constant 0 : i32
    %c0_i32_1 = arith.constant 0 : i32
    return %add3A_0, %c0_i32 : i32, i32
  }
  func.func @transform_5(%arg0: i32) -> (i32, i32) {
    %add3A = arith.constant 125 : i32
    %add3A_0 = arith.addi %add3A, %arg0 : i32
    %c0_i32 = arith.constant 0 : i32
    %c0_i32_1 = arith.constant 0 : i32
    return %add3A_0, %c0_i32 : i32, i32
  }
  func.func @transform_6(%arg0: i32) -> (i32, i32) {
    %add3A = arith.constant 150 : i32
    %add3A_0 = arith.addi %add3A, %arg0 : i32
    %c0_i32 = arith.constant 0 : i32
    %c0_i32_1 = arith.constant 0 : i32
    return %add3A_0, %c0_i32 : i32, i32
  }
  func.func @transform_7(%arg0: i32) -> (i32, i32) {
    %add3A = arith.constant 175 : i32
    %add3A_0 = arith.addi %add3A, %arg0 : i32
    %c0_i32 = arith.constant 0 : i32
    %c0_i32_1 = arith.constant 0 : i32
    return %add3A_0, %c0_i32 : i32, i32
  }
  func.func @transform_8(%arg0: i32) -> (i32, i32) {
    %add3A = arith.constant 200 : i32
    %add3A_0 = arith.addi %add3A, %arg0 : i32
    %c0_i32 = arith.constant 0 : i32
    %c0_i32_1 = arith.constant 0 : i32
    return %add3A_0, %c0_i32 : i32, i32
  }
  func.func @transform_9(%arg0: i32) -> (i32, i32) {
    %add3A = arith.constant 225 : i32
    %add3A_0 = arith.addi %add3A, %arg0 : i32
    %c0_i32 = arith.constant 0 : i32
    %c0_i32_1 = arith.constant 0 : i32
    return %add3A_0, %c0_i32 : i32, i32
  }
  func.func @transform_10(%arg0: i32) -> (i32, i32) {
    %add3A = arith.constant 250 : i32
    %add3A_0 = arith.addi %add3A, %arg0 : i32
    %c0_i32 = arith.constant 0 : i32
    %c0_i32_1 = arith.constant 0 : i32
    return %add3A_0, %c0_i32 : i32, i32
  }
  func.func @transform_11(%arg0: i32) -> (i32, i32) {
    %add3A = arith.constant 275 : i32
    %add3A_0 = arith.addi %add3A, %arg0 : i32
    %c0_i32 = arith.constant 0 : i32
    %c0_i32_1 = arith.constant 0 : i32
    return %add3A_0, %c0_i32 : i32, i32
  }
  func.func @transform_12(%arg0: i32) -> (i32, i32) {
    %add3A = arith.constant 300 : i32
    %add3A_0 = arith.addi %add3A, %arg0 : i32
    %c0_i32 = arith.constant 0 : i32
    %c0_i32_1 = arith.constant 0 : i32
    return %add3A_0, %c0_i32 : i32, i32
  }
  func.func @transform_13(%arg0: i32) -> (i32, i32) {
    %add3A = arith.constant 325 : i32
    %add3A_0 = arith.addi %add3A, %arg0 : i32
    %c0_i32 = arith.constant 0 : i32
    %c0_i32_1 = arith.constant 0 : i32
    return %add3A_0, %c0_i32 : i32, i32
  }
  func.func @transform_14(%arg0: i32) -> (i32, i32) {
    %add3A = arith.constant 350 : i32
    %add3A_0 = arith.addi %add3A, %arg0 : i32
    %c0_i32 = arith.constant 0 : i32
    %c0_i32_1 = arith.constant 0 : i32
    return %add3A_0, %c0_i32 : i32, i32
  }
  func.func @transform_15(%arg0: i32) -> (i32, i32) {
    %add3A = arith.constant 375 : i32
    %add3A_0 = arith.addi %add3A, %arg0 : i32
    %c0_i32 = arith.constant 0 : i32
    %c0_i32_1 = arith.constant 0 : i32
    return %add3A_0, %c0_i32 : i32, i32
  }
  func.func @transform_16(%arg0: i32) -> (i32, i32) {
    %add3A = arith.constant 400 : i32
    %add3A_0 = arith.addi %add3A, %arg0 : i32
    %c0_i32 = arith.constant 0 : i32
    %c0_i32_1 = arith.constant 0 : i32
    return %add3A_0, %c0_i32 : i32, i32
  }
  func.func @transform_17(%arg0: i32) -> (i32, i32) {
    %add3A = arith.constant 425 : i32
    %add3A_0 = arith.addi %add3A, %arg0 : i32
    %c0_i32 = arith.constant 0 : i32
    %c0_i32_1 = arith.constant 0 : i32
    return %add3A_0, %c0_i32 : i32, i32
  }
  func.func @transform_18(%arg0: i32) -> (i32, i32) {
    %add3A = arith.constant 450 : i32
    %add3A_0 = arith.addi %add3A, %arg0 : i32
    %c0_i32 = arith.constant 0 : i32
    %c0_i32_1 = arith.constant 0 : i32
    return %add3A_0, %c0_i32 : i32, i32
  }
  func.func @transform_19(%arg0: i32) -> (i32, i32) {
    %add3A = arith.constant 475 : i32
    %add3A_0 = arith.addi %add3A, %arg0 : i32
    %c0_i32 = arith.constant 0 : i32
    %c0_i32_1 = arith.constant 0 : i32
    return %add3A_0, %c0_i32 : i32, i32
  }
  func.func @transform_20(%arg0: i32) -> (i32, i32) {
    %add3A = arith.constant 500 : i32
    %add3A_0 = arith.addi %add3A, %arg0 : i32
    %c0_i32 = arith.constant 0 : i32
    %c0_i32_1 = arith.constant 0 : i32
    return %add3A_0, %c0_i32 : i32, i32
  }
  func.func @transform_21(%arg0: i32) -> (i32, i32) {
    %add3A = arith.constant 525 : i32
    %add3A_0 = arith.addi %add3A, %arg0 : i32
    %c0_i32 = arith.constant 0 : i32
    %c0_i32_1 = arith.constant 0 : i32
    return %add3A_0, %c0_i32 : i32, i32
  }
  func.func @transform_22(%arg0: i32) -> (i32, i32) {
    %add3A = arith.constant 550 : i32
    %add3A_0 = arith.addi %add3A, %arg0 : i32
    %c0_i32 = arith.constant 0 : i32
    %c0_i32_1 = arith.constant 0 : i32
    return %add3A_0, %c0_i32 : i32, i32
  }
  func.func @transform_23(%arg0: i32) -> (i32, i32) {
    %add3A = arith.constant 575 : i32
    %add3A_0 = arith.addi %add3A, %arg0 : i32
    %c0_i32 = arith.constant 0 : i32
    %c0_i32_1 = arith.constant 0 : i32
    return %add3A_0, %c0_i32 : i32, i32
  }
  func.func @transform_24(%arg0: i32) -> (i32, i32) {
    %add3A = arith.constant 600 : i32
    %add3A_0 = arith.addi %add3A, %arg0 : i32
    %c0_i32 = arith.constant 0 : i32
    %c0_i32_1 = arith.constant 0 : i32
    return %add3A_0, %c0_i32 : i32, i32
  }
  func.func @transform_25(%arg0: i32) -> (i32, i32) {
    %add3A = arith.constant 625 : i32
    %add3A_0 = arith.addi %add3A, %arg0 : i32
    %c0_i32 = arith.constant 0 : i32
    %c0_i32_1 = arith.constant 0 : i32
    return %add3A_0, %c0_i32 : i32, i32
  }
  func.func @transform_26(%arg0: i32) -> (i32, i32) {
    %add3A = arith.constant 650 : i32
    %add3A_0 = arith.addi %add3A, %arg0 : i32
    %c0_i32 = arith.constant 0 : i32
    %c0_i32_1 = arith.constant 0 : i32
    return %add3A_0, %c0_i32 : i32, i32
  }
  func.func @transform_27(%arg0: i32) -> (i32, i32) {
    %c0_i32 = arith.constant 0 : i32
    %c0_i32_0 = arith.constant 0 : i32
    return %arg0, %c0_i32 : i32, i32
  }
  func.func @transform_28(%arg0: i32) -> (i32, i32) {
    %c0_i32 = arith.constant 0 : i32
    %c0_i32_0 = arith.constant 0 : i32
    %c0_i32_1 = arith.constant 0 : i32
    return %c0_i32, %c0_i32_0 : i32, i32
  }
  func.func @transform_29(%arg0: i32) -> (i32, i32) {
    %c0_i32 = arith.constant 0 : i32
    %c0_i32_0 = arith.constant 0 : i32
    %c0_i32_1 = arith.constant 0 : i32
    return %c0_i32, %c0_i32_0 : i32, i32
  }
  func.func @transform_30(%arg0: i32) -> (i32, i32) {
    %c0_i32 = arith.constant 0 : i32
    %c0_i32_0 = arith.constant 0 : i32
    %c0_i32_1 = arith.constant 0 : i32
    return %c0_i32, %c0_i32_0 : i32, i32
  }
  func.func @transform_31(%arg0: i32) -> (i32, i32) {
    %c0_i32 = arith.constant 0 : i32
    %c0_i32_0 = arith.constant 0 : i32
    return %arg0, %c0_i32 : i32, i32
  }
}

</mosaic_0001>

<sc_bundles>
// kernel: kernel.11.cloned.1.call-start
scs
__scs_entry_jumppad:
0x0: {  	(pc) =	sbr.rel $0x88, $3  }
0x1: {  	(tag) =	ssettag $0x0;
	lr =	simm.s32 $0x1  }
0x2: {  	[smem:$0x3F90] =	sst lr;
	_ =	strace $0xD0000000  }
0x3: {  	_ = 	snop  }
0x4: {  	_ = 	snop  }
0x5: {  	_ = 	snop  }
0x6: {  	_ = 	snop  }
0x7: {  	_ = 	snop  }
__scs_overlays_trampoline_lowered:
0x8: {  	[smem:$0x3F9F] =	sst s0  }
0x9: {  	[smem:$0x3FA0] =	sst s1  }
0xa: {  	[smem:$0x3FA1] =	sst s2  }
0xb: {  	[smem:$0x3FA2] =	sst s3  }
0xc: {  	[smem:$0x3FA3] =	sst s4  }
0xd: {  	[smem:$0x3FA4] =	sst s5  }
0xe: {  	[smem:$0x3FA5] =	sst s6  }
0xf: {  	[smem:$0x3FA6] =	sst s7  }
0x10: {  	[smem:$0x3FA7] =	sst s8  }
0x11: {  	[smem:$0x3FA8] =	sst s9;
	s0 =	simm.s32 @!p0 $0x0  }
0x12: {  	s1 =	sld [smem:$0x3F8E];
	s0 =	simm.s32 @p0 $0x1  }
0x13: {  	[smem:$0x3FA9] =	sst s0;
	s0 =	simm.s32 @!p1 $0x0  }
0x14: {  	s2 =	sld [smem:$0x3F8D];
	s0 =	simm.s32 @p1 $0x1  }
0x15: {  	[smem:$0x3FAA] =	sst s0;
	s0 =	simm.s32 @!p2 $0x0  }
0x16: {  	s3 =	sld [smem:$0x3FDB];
	s0 =	simm.s32 @p2 $0x1  }
0x17: {  	s4 =	simm.s32 $0x1BF5;
	[smem:$0x3FAC] =	sst s0  }
0x18: {  	s0 =	sld [smem:$0x3F8F];
	_ =	swait.ge [sflag:s4], $0x0  }
0x19: {  	s7 =	sld [smem:$0x3F90]  }
0x1a: {  	s8 =	sadd.s32 $0xFFFFE003, lr  }
0x1b: {  	s9 =	sadd.s32 $0xFFFFFEF7, lr;
	s5 =	simm.s32 $0xFFFFFFFF;
	p2 =	slt.u32 s8, $0xFFFFF086  }
0x1c: {  	p1 =	slt.u32 s9, $0xF7A;
	s5 =	simm.s32 @!p2 $0x0  }
0x1d: {  	s5 =	simm.s32 @p1 $0x1;
	p0 =	seq.s32 s7, s2  }
0x1e: {  	s7 =	smul.u32 @!p0 $0xF7A, s2;
	p2 =	seq.s32 @!p0 s5, $0x0  }
0x1f: {  	s9 =	smul.u32 $0xF7A, s1;
	s8 =	simm.s32 @!p0 $0x1BF5;
	p2 =	por !p2, p0  }
0x20: {  	[sflag:s8] =	ssyncset.s32 @!p0 $0xFFFFF086;
	s6 =	sadd.s32 @!p0 s3, s7;
	s7 =	simm.s32 @!p0 $0x108  }
0x21: {  	s3 =	sadd.s32 s3, s9;
	s6 =	sadd.s32 @!p0 $0x88, s6;
	s7 =	simm.s32 @p2 $0x1082  }
0x22: {  	[simem:s7], [sflag:s8] =	dma.local @!p0 [hbm:s6], $0xF7A  }
0x23: {  	s9 =	sor.u32 $0xD0000000, s2;
	s6 =	simm.s32 $0x108;
	_ =	swait.ge @!p0 [sflag:s8], $0x0  }
0x24: {  	s3 =	sadd.s32 $0x88, s3;
	s6 =	simm.s32 @!p1 $0x1082;
	[sflag:s4] =	ssyncset.s32 $0xFFFFF086  }
0x25: {  	[simem:s6], [sflag:s4] =	dma.local [hbm:s3], $0xF7A  }
0x26: {  	[smem:$0x3F90] =	sst s1;
	(tag) =	ssettag s2;
	_ =	strace s9  }
0x27: {  	s1 =	sld [smem:$0x3FA0]  }
0x28: {  	s2 =	sld [smem:$0x3FA1]  }
0x29: {  	s4 =	sld [smem:$0x3FA3]  }
0x2a: {  	p0 =	seq.s32 s5, $0x0;
	s5 =	sld [smem:$0x3FA4]  }
0x2b: {  	s6 =	sld [smem:$0x3FA5]  }
0x2c: {  	s7 =	sld [smem:$0x3FA6]  }
0x2d: {  	s3 =	simm.s32 $0x108;
	s8 =	sld [smem:$0x3FA7]  }
0x2e: {  	s3 =	simm.s32 @!p0 $0x1082;
	s9 =	sld [smem:$0x3FA8]  }
0x2f: {  	lr =	sadd.s32 s0, s3;
	s0 =	sld [smem:$0x3F9F]  }
0x30: {  	s3 =	sld [smem:$0x3FA2]  }
0x31: {  	[smem:$0x3FAB] =	sst s10  }
0x32: {  	s10 =	sld [smem:$0x3FA9];
	_ =	sdelay $0x3  }
0x33: {  	p0 =	seq.s32 s10, $0x1;
	s10 =	sld [smem:$0x3FAB];
	_ =	sdelay $0x3  }
0x34: {  	[smem:$0x3FAB] =	sst s10  }
0x35: {  	s10 =	sld [smem:$0x3FAA];
	_ =	sdelay $0x3  }
0x36: {  	p1 =	seq.s32 s10, $0x1;
	s10 =	sld [smem:$0x3FAB];
	_ =	sdelay $0x3  }
0x37: {  	[smem:$0x3FAB] =	sst s10  }
0x38: {  	s10 =	sld [smem:$0x3FAC]  }
0x39: {  	_ = 	snop;
	(pc) =	sbr.ind lr, $3  }
0x3a: {  	_ = 	snop  }
0x3b: {  	_ = 	snop  }
0x3c: {  	p2 =	seq.s32 s10, $0x1;
	s10 =	sld [smem:$0x3FAB]  }
0x3d: {  	_ =	shalt  }
0x3e: {  	_ =	shalt  }
0x3f: {  	_ =	shalt  }
0x40: {  	_ =	shalt  }
0x41: {  	_ =	shalt  }
0x42: {  	_ =	shalt  }
0x43: {  	_ =	shalt  }
0x44: {  	_ =	shalt  }
0x45: {  	_ =	shalt  }
0x46: {  	_ =	shalt  }
0x47: {  	_ =	shalt  }
0x48: {  	_ =	shalt  }
0x49: {  	_ =	shalt  }
0x4a: {  	_ =	shalt  }
0x4b: {  	_ =	shalt  }
0x4c: {  	_ =	shalt  }
0x4d: {  	_ =	shalt  }
0x4e: {  	_ =	shalt  }
0x4f: {  	_ =	shalt  }
0x50: {  	_ =	shalt  }
0x51: {  	_ =	shalt  }
0x52: {  	_ =	shalt  }
0x53: {  	_ =	shalt  }
0x54: {  	_ =	shalt  }
0x55: {  	_ =	shalt  }
0x56: {  	_ =	shalt  }
0x57: {  	_ =	shalt  }
0x58: {  	_ =	shalt  }
0x59: {  	_ =	shalt  }
0x5a: {  	_ =	shalt  }
0x5b: {  	_ =	shalt  }
0x5c: {  	_ =	shalt  }
0x5d: {  	_ =	shalt  }
0x5e: {  	_ =	shalt  }
0x5f: {  	_ =	shalt  }
0x60: {  	_ =	shalt  }
0x61: {  	_ =	shalt  }
0x62: {  	_ =	shalt  }
0x63: {  	_ =	shalt  }
0x64: {  	_ =	shalt  }
0x65: {  	_ =	shalt  }
0x66: {  	_ =	shalt  }
0x67: {  	_ =	shalt  }
0x68: {  	_ =	shalt  }
0x69: {  	_ =	shalt  }
0x6a: {  	_ =	shalt  }
0x6b: {  	_ =	shalt  }
0x6c: {  	_ =	shalt  }
0x6d: {  	_ =	shalt  }
0x6e: {  	_ =	shalt  }
0x6f: {  	_ =	shalt  }
0x70: {  	_ =	shalt  }
0x71: {  	_ =	shalt  }
0x72: {  	_ =	shalt  }
0x73: {  	_ =	shalt  }
0x74: {  	_ =	shalt  }
0x75: {  	_ =	shalt  }
0x76: {  	_ =	shalt  }
0x77: {  	_ =	shalt  }
0x78: {  	_ =	shalt  }
0x79: {  	_ =	shalt  }
0x7a: {  	_ =	shalt  }
0x7b: {  	_ =	shalt  }
0x7c: {  	_ =	shalt  }
0x7d: {  	_ =	shalt  }
0x7e: {  	_ =	shalt  }
0x7f: {  	_ =	shalt  }
0x80: {  	_ =	shalt  }
0x81: {  	_ =	shalt  }
0x82: {  	_ =	shalt  }
0x83: {  	_ =	shalt  }
0x84: {  	_ =	shalt  }
0x85: {  	_ =	shalt  }
0x86: {  	_ =	shalt  }
0x87: {  	_ =	shalt  }
.Lfunc_end0:
.L_simem_size_0:
called_computation.1_lowered:
.L_overlay_start_0:
0x88: {  	s2 =	sld [smem:$0x3FD9]  }
0x89: {  	s3 =	sld [smem:$0x3FFE];
	_ =	sdelay $0x1  }
0x8a: {  	s1 =	srdreg.scid  }
0x8b: {  	s0 =	sand.u32 $0x1, s1  }
0x8c: {  	s16 =	sshll.u32 s0, $0xA;
	s2 =	sadd.s32 s3, s2  }
0x8d: {  	s2 =	sadd.s32 s2, s16  }
0x8e: {  	[smem:$0x3FB7] =	sst s2  }
0x8f: {  	_ = 	snop  }
0x90: {  	(tm) =	ssettm $0x1  }
0x91: {  	s17 =	sld [smem:$0x3FFB];
	_ =	sdelay $0x3  }
0x92: {  	_ =	strace s17  }
0x93: {  	s2 =	sld [smem:$0x3FFC];
	_ =	sdelay $0x3  }
0x94: {  	_ =	strace s2  }
0x95: {  	s2 =	sld [smem:$0x3FFD];
	_ =	sdelay $0x3  }
0x96: {  	_ =	strace s2  }
0x97: {  	_ =	strace $0x8FFFFFFF  }
0x98: {  	s18 =	sld [smem:$0x3FDB];
	_ =	sdelay $0x1  }
0x99: {  	s19 =	simm.s32 $_scs_section_size  }
0x9a: {  	s4 =	simm.s32 $_size__tile_overlayer_lowered;
	s5 =	simm.s32 $_tile_overlayer_lowered  }
0x9b: {  	s22 =	simm.s32 $0x1BFF;
	s21 =	sshll.u32 s5, $0x1;
	s2 =	sadd.s32 s19, s18  }
0x9c: {  	s6 =	simm.s32 $0x0;
	s20 =	sshll.u32 s4, $0x1;
	s4 =	sadd.s32 s21, s2  }
0x9d: {  	[timem:s6], [sflag:s22] =	dma.local [hbm:s4], s20  }
0x9e: {  	_ =	swait.ge [sflag:s22], s20  }
0x9f: {  	s3 =	ssub.s32 $0x0, s20;
	[sflag:s22] =	ssyncset.done $0x0  }
0xa0: {  	[sflag:s22] =	ssyncadd.s32 s3;
	_ =	sdelay $0x1  }
0xa1: {  	s23 =	simm.s32 $0x1B8B  }
0xa2: {  	_ =	swait.ge [sflag:s23], $0x1  }
0xa3: {  	[sflag:s23] =	ssyncset.done $0x0  }
0xa4: {  	s25 =	simm.s32 $0x1B8E;
	s24 =	sld [smem:$0x3FFE];
	[sflag:s23] =	ssyncadd.s32 $0xFFFFFFFF  }
0xa5: {  	s26 =	simm.s32 $execute0_lowered;
	[smem:$0x3FD2] =	sst s25  }
0xa6: {  	s4 =	sshll.u32 s26, $0x1;
	_ =	strace $0x80000049;
	[dreg:$0x1] =	wrdreg $0xFFFFFFFF  }
0xa7: {  	s28 =	simm.s32 $_size_execute0_lowered;
	s2 =	sadd.s32 s2, s4;
	[dreg:$0x0] =	wrdreg $0x0  }
0xa8: {  	s4 =	sshll.u32 s28, $0x1;
	[dreg:$0x2] =	wrdreg s2  }
0xa9: {  	[dreg:$0x3] =	wrdreg s4  }
0xaa: {  	[dreg:$0x4] =	wrdreg $0xC0  }
0xab: {  	_ =	task [dreg:s6], $0x5FFFF  }
0xac: {  	[dreg:$0x1] =	wrdreg $0xFFFFFFFF  }
0xad: {  	[dreg:$0x0] =	wrdreg $0x60  }
0xae: {  	[dreg:$0x2] =	wrdreg s24  }
0xaf: {  	[dreg:$0x3] =	wrdreg $0x9  }
0xb0: {  	_ =	task.clear_ibuf [dreg:s6], $0x4FFFF;
	_ =	strace $0x90000049  }
0xb1: {  	s29 =	simm.s32 $0x9;
	_ =	strace $0x8000004B  }
0xb2: {  	_ =	swait.ge [sflag:s29], $0x1  }
0xb3: {  	[sflag:s29] =	ssyncadd.s32 $0xFFFFFFFF  }
0xb4: {  	_ =	strace $0x9000004B  }
0xb5: {  	_ =	sfence  }
0xb6: {  	s30 =	sld [smem:$0x0];
	_ =	sdelay $0x2  }
0xb7: {  	s31 =	sshll.u32 s1, $0xD;
	s1 =	sshrl.u32 s1, $0x2  }
0xb8: {  	s3 =	sand.u32 $0x4000, s31;
	s1 =	sadd.s32 s1, s30  }
0xb9: {  	s0 =	sor.u32 s3, s0;
	s1 =	sshll.u32 s1, $0x11  }
0xba: {  	s0 =	sor.u32 s1, s0  }
0xbb: {  	s0 =	sadd.s32 $0x8F2B, s0  }
0xbc: {  	[sflag:s0] =	ssyncadd.remote.s32 $0x1  }
0xbd: {  	_ =	sfence.sel $0xFFFF  }
0xbe: {  	[dreg:$0x0] =	wrdreg $0xFFFFFFFF;
	(pc) =	sbr.abs _section_cstart, $3  }
0xbf: {  	[dreg:$0x1] =	wrdreg $0xFFFFFFFF  }
0xc0: {  	_ =	task.clear_ibuf [dreg:s6], $0x2FFFF;
	_ =	strace $0x9FFFFFFF  }
0xc1: {  	(tm) =	ssettm $0x7FFFFFFF  }
tec
execute0_lowered:
.L_overlay_start_1:
0x0: {  	(tag) =	ssettag $0x1  }
0x1: {  	s1 =	srdreg.scid  }
0x2: {  	s0 =	stileid.u32;
	s4 =	rddreg [dreg:$0x0];
	s2 =	simm.s32 $0x0  }
0x3: {  	s12 =	simm.s32 $0x100;
	s13 =	simm.s32 $0xA400;
	s14 =	simm.s32 $0x180  }
0x4: {  	s15 =	simm.s32 $0xE400;
	s16 =	simm.s32 $0x1;
	s17 =	simm.s32 $0x2  }
0x5: {  	s18 =	simm.s32 $0x0;
	s5 =	sand.u32 $0x1, s1;
	s1 =	rddreg [dreg:$0x1]  }
0x6: {  	s3 =	sshll.u32 s0, $0x1;
	[smem:$0x7FF] =	sst s2;
	s9 =	smul.u32 $0x42000, s0  }
0x7: {  	s10 =	sadd.s32 $0x158400, s4;
	s6 =	sor.u32 s5, s3;
	s11 =	smul.u32 $0x21000, s5  }
0x8: {  	_ =	strace $0x8000004A;
	s8 =	ssub.s32 $0x2, s5;
	s7 =	smul.u32 $0x480, s6  }
0x9: {  	s3 =	sadd.s32 $0x2600, s4;
	s6 =	smul.u32 $0x21000, s6;
	s29 =	sshrl.u32 s8, $0x1  }
0xa: {  	s31 =	sadd.s32 s9, s10;
	s9 =	simm.s32 $0x80;
	s30 =	ssub.s32 s8, s29  }
0xb: {  	s8 =	simm.s32 $0x3;
	s7 =	sadd.s32 s7, s4;
	s5 =	smax.u32 s30, $0x1  }
0xc: {  	s6 =	sadd.s32 s10, s6;
	s4 =	sadd.s32 $0x14F400, s7;
	s7 =	sadd.s32 s11, s31  }
0xd: {  	s10 =	simm.s32 $0x2400;
	s11 =	simm.s32 $0x6400;
	s7 =	sadd.s32 $0x800, s7  }
.LBB2_1:
0xe: {  	[tilespmem:s2], [sflag:$0x3] =	stream.linear.gather [hbm4b:s4+s2], $0x2100, $0x38;
	[tilespmem:$0x12400] =	vst v63  }
0xf: {  	_ =	swait.ge [sflag:s8], $0x2100  }
0x10: {  	[sflag:s8] =	ssyncset.done $0x0  }
0x11: {  	[sflag:s8] =	ssyncadd.s32 $0xFFFFDF00  }
0x12: {  	[tilespmem:s10], [sflag:$0x1] =	stream.indirect.gather [hbm4b:s3+s9], $0x80, s2, s9, $0xb8;
	[tilespmem:$0x12400] =	vst v63  }
0x13: {  	_ = 	snop  }
0x14: {  	[tilespmem:s11], [sflag:$0x1] =	stream.indirect.gather [hbm4b:s3+s9], $0x80, s9, s9, $0xb8;
	[tilespmem:$0x12400] =	vst v63  }
0x15: {  	_ = 	snop  }
0x16: {  	[tilespmem:s13], [sflag:$0x1] =	stream.indirect.gather [hbm4b:s3+s9], $0x80, s12, s9, $0xb8;
	[tilespmem:$0x12400] =	vst v63  }
0x17: {  	_ = 	snop  }
0x18: {  	[tilespmem:s15], [sflag:$0x1] =	stream.indirect.gather [hbm4b:s3+s9], $0x80, s14, s9, $0xb8;
	[tilespmem:$0x12400] =	vst v63  }
0x19: {  	s19 =	simm.s32 $0x40000;
	_ =	swait.ge [sflag:s16], $0x4000  }
0x1a: {  	p0 =	por $0x0, $0x0;
	s21 =	simm.s32 $0x200;
	[sflag:s16] =	ssyncset.done $0x0  }
0x1b: {  	s23 =	simm.s32 $0x10000;
	s20 =	simm.s32 @!p0 $0x2;
	[sflag:s16] =	ssyncadd.s32 $0xFFFFC000  }
0x1c: {  	[hbm4b:s6+s2] =	stream.linear.scatter [tilespmem:s10], [sflag:$0x2], $0x4000, $0x38;
	[tilespmem:$0x12400] =	vst v63  }
0x1d: {  	s19 =	sand.u32 @!p0 $0x30000, s19;
	s30 =	sand.u32 $0x30000, s23;
	_ =	swait.ge @!p0 [sflag:s20], $0x4000  }
0x1e: {  	s23 =	smov.u32 s7;
	s22 =	sshrl.u32 @!p0 s19, $0x2;
	[sflag:s20] =	ssyncset.done @!p0 $0x0  }
0x1f: {  	s22 =	sor.u32 @!p0 $0x2400, s22;
	[sflag:s20] =	ssyncadd.s32 @!p0 $0xFFFFC000;
	s20 =	simm.s32 @!p0 $0x80  }
0x20: {  	[tilespmem:s22], [sflag:$0x1] =	stream.indirect.gather @!p0 [hbm4b:s3+s20], $0x80, s21, s20, $0xb8;
	[tilespmem:$0x12400] =	vst v63  }
0x21: {  	s19 =	simm.s32 $0x2;
	s31 =	sshrl.u32 s30, $0x2;
	_ =	swait.ge [sflag:s16], $0x4000  }
0x22: {  	s24 =	sor.u32 $0x2400, s31;
	s20 =	simm.s32 $0x280;
	[sflag:s16] =	ssyncset.done $0x0  }
0x23: {  	s21 =	simm.s32 $0x50000;
	s22 =	sadd.s32 $0x800, s7;
	[sflag:s16] =	ssyncadd.s32 $0xFFFFC000  }
.LBB2_2:
0x24: {  	[hbm4b:s23+s2] =	stream.linear.scatter [tilespmem:s24], [sflag:$0x2], $0x4000, $0x38;
	[tilespmem:$0x12400] =	vst v63  }
0x25: {  	p1 =	sgt.u32 s19, $0x3E;
	s19 =	sadd.s32 $0x1, s19;
	s23 =	smov.u32 s22  }
0x26: {  	s24 =	simm.s32 @!p1 $0x2;
	s25 =	sand.u32 @!p1 $0x30000, s21;
	p0 =	sne.s32 s19, $0x42  }
0x27: {  	s25 =	sshrl.u32 @!p1 s25, $0x2;
	_ =	swait.ge @!p1 [sflag:s24], $0x4000  }
0x28: {  	s26 =	sadd.s32 $0xFFFD0000, s21;
	s25 =	sor.u32 @!p1 $0x2400, s25;
	[sflag:s24] =	ssyncset.done @!p1 $0x0  }
.Ltmp0:
0x29: {  	[sflag:s24] =	ssyncadd.s32 @!p1 $0xFFFFC000;
	s24 =	simm.s32 @!p1 $0x80;
	(pc) =	sbr.rel @p0 .LBB2_2-.Ltmp0, $4  }
0x2a: {  	[tilespmem:s25], [sflag:$0x1] =	stream.indirect.gather @!p1 [hbm4b:s3+s24], $0x80, s20, s24, $0xb8;
	[tilespmem:$0x12400] =	vst v63  }
0x2b: {  	s24 =	sand.u32 $0x30000, s26;
	s20 =	sadd.s32 $0x80, s20;
	_ =	swait.ge [sflag:s16], $0x4000  }
0x2c: {  	s21 =	sadd.s32 $0x10000, s21;
	s24 =	sshrl.u32 s24, $0x2;
	[sflag:s16] =	ssyncset.done $0x0  }
0x2d: {  	s22 =	sadd.s32 $0x800, s22;
	s24 =	sor.u32 $0x2400, s24;
	[sflag:s16] =	ssyncadd.s32 $0xFFFFC000  }
0x2e: {  	[hbm4b:s23+s2] =	stream.linear.scatter [tilespmem:s24], [sflag:$0x2], $0x4000, $0x38;
	[tilespmem:$0x12400] =	vst v63  }
0x2f: {  	_ =	swait.ge [sflag:s17], $0x4000  }
0x30: {  	[sflag:s17] =	ssyncset.done $0x0  }
0x31: {  	[sflag:s17] =	ssyncadd.s32 $0xFFFFC000  }
0x32: {  	_ =	swait.ge [sflag:s17], $0x4000  }
0x33: {  	[sflag:s17] =	ssyncset.done $0x0  }
0x34: {  	s18 =	sadd.s32 $0x1, s18;
	[sflag:s17] =	ssyncadd.s32 $0xFFFFC000  }
0x35: {  	p0 =	sne.s32 s18, s5;
	_ =	swait.ge [sflag:s17], $0x4000  }
.Ltmp1:
0x36: {  	[sflag:s17] =	ssyncset.done $0x0;
	(pc) =	sbr.rel @p0 .LBB2_1-.Ltmp1, $4  }
0x37: {  	[sflag:s17] =	ssyncadd.s32 $0xFFFFC000  }
0x38: {  	_ =	swait.ge [sflag:s17], $0x4000  }
0x39: {  	[sflag:s17] =	ssyncset.done $0x0  }
0x3a: {  	[sflag:s17] =	ssyncadd.s32 $0xFFFFC000  }
0x3b: {  	_ =	sfence.sel $0x180000  }
0x3c: {  	[bflag:$0x0] =	sbarrier.arrive $0xFFFF  }
0x3d: {  	p0 =	sne.s32 s0, $0x0;
	_ =	strace $0x9000004A  }
0x3e: {  	s0 =	sadd.s32 @!p0 $0x100000, s1;
	[bflag:$0x2] =	sbarrier.arrive $0xFFFF  }
0x3f: {  	[sflag:s0] =	ssyncadd.tile.s32 @!p0 $0x1;
	_ =	shalt  }
.Lfunc_end2:
_tile_overlayer_lowered:
.L_overlay_start_2:
0x40: {  	(tag) =	ssettag $0x2  }
0x41: {  	s0 =	rddreg [dreg:$0x0];
	s2 =	stileid.u32  }
0x42: {  	s1 =	rddreg [dreg:$0x1];
	p0 =	sne.s32 s2, $0x0  }
0x43: {  	s3 =	rddreg [dreg:$0x2];
	[bflag:$0x3] =	sbarrier.arrive $0xFFFF;
	s2 =	simm.s32 @!p0 $0x1C03  }
0x44: {  	[timem:s3], [sflag:s2] =	dma.local @!p0 [hbm:s0], s1  }
0x45: {  	s0 =	simm.s32 @!p0 $0x3  }
0x46: {  	_ =	swait.ge @!p0 [sflag:s0], s1  }
0x47: {  	s1 =	ssub.s32 @!p0 $0x0, s1;
	[sflag:s0] =	ssyncset.done @!p0 $0x0  }
0x48: {  	[sflag:s0] =	ssyncadd.s32 @!p0 s1  }
0x49: {  	[bflag:$0x3] =	sbarrier.arrive $0xFFFF  }
0x4a: {  	_ =	shalt  }

// kernel: kernel.8.cloned.1.call-start
scs
__scs_entry_jumppad:
0x0: {  	(pc) =	sbr.rel $0x88, $3  }
0x1: {  	(tag) =	ssettag $0x0;
	lr =	simm.s32 $0x1  }
0x2: {  	[smem:$0x3F90] =	sst lr;
	_ =	strace $0xD0000000  }
0x3: {  	_ = 	snop  }
0x4: {  	_ = 	snop  }
0x5: {  	_ = 	snop  }
0x6: {  	_ = 	snop  }
0x7: {  	_ = 	snop  }
__scs_overlays_trampoline_lowered:
0x8: {  	[smem:$0x3F9F] =	sst s0  }
0x9: {  	[smem:$0x3FA0] =	sst s1  }
0xa: {  	[smem:$0x3FA1] =	sst s2  }
0xb: {  	[smem:$0x3FA2] =	sst s3  }
0xc: {  	[smem:$0x3FA3] =	sst s4  }
0xd: {  	[smem:$0x3FA4] =	sst s5  }
0xe: {  	[smem:$0x3FA5] =	sst s6  }
0xf: {  	[smem:$0x3FA6] =	sst s7  }
0x10: {  	[smem:$0x3FA7] =	sst s8  }
0x11: {  	[smem:$0x3FA8] =	sst s9;
	s0 =	simm.s32 @!p0 $0x0  }
0x12: {  	s1 =	sld [smem:$0x3F8E];
	s0 =	simm.s32 @p0 $0x1  }
0x13: {  	[smem:$0x3FA9] =	sst s0;
	s0 =	simm.s32 @!p1 $0x0  }
0x14: {  	s2 =	sld [smem:$0x3F8D];
	s0 =	simm.s32 @p1 $0x1  }
0x15: {  	[smem:$0x3FAA] =	sst s0;
	s0 =	simm.s32 @!p2 $0x0  }
0x16: {  	s3 =	sld [smem:$0x3FDB];
	s0 =	simm.s32 @p2 $0x1  }
0x17: {  	s4 =	simm.s32 $0x1BF5;
	[smem:$0x3FAC] =	sst s0  }
0x18: {  	s0 =	sld [smem:$0x3F8F];
	_ =	swait.ge [sflag:s4], $0x0  }
0x19: {  	s7 =	sld [smem:$0x3F90]  }
0x1a: {  	s8 =	sadd.s32 $0xFFFFE003, lr  }
0x1b: {  	s9 =	sadd.s32 $0xFFFFFEF7, lr;
	s5 =	simm.s32 $0xFFFFFFFF;
	p2 =	slt.u32 s8, $0xFFFFF086  }
0x1c: {  	p1 =	slt.u32 s9, $0xF7A;
	s5 =	simm.s32 @!p2 $0x0  }
0x1d: {  	s5 =	simm.s32 @p1 $0x1;
	p0 =	seq.s32 s7, s2  }
0x1e: {  	s7 =	smul.u32 @!p0 $0xF7A, s2;
	p2 =	seq.s32 @!p0 s5, $0x0  }
0x1f: {  	s9 =	smul.u32 $0xF7A, s1;
	s8 =	simm.s32 @!p0 $0x1BF5;
	p2 =	por !p2, p0  }
0x20: {  	[sflag:s8] =	ssyncset.s32 @!p0 $0xFFFFF086;
	s6 =	sadd.s32 @!p0 s3, s7;
	s7 =	simm.s32 @!p0 $0x108  }
0x21: {  	s3 =	sadd.s32 s3, s9;
	s6 =	sadd.s32 @!p0 $0x88, s6;
	s7 =	simm.s32 @p2 $0x1082  }
0x22: {  	[simem:s7], [sflag:s8] =	dma.local @!p0 [hbm:s6], $0xF7A  }
0x23: {  	s9 =	sor.u32 $0xD0000000, s2;
	s6 =	simm.s32 $0x108;
	_ =	swait.ge @!p0 [sflag:s8], $0x0  }
0x24: {  	s3 =	sadd.s32 $0x88, s3;
	s6 =	simm.s32 @!p1 $0x1082;
	[sflag:s4] =	ssyncset.s32 $0xFFFFF086  }
0x25: {  	[simem:s6], [sflag:s4] =	dma.local [hbm:s3], $0xF7A  }
0x26: {  	[smem:$0x3F90] =	sst s1;
	(tag) =	ssettag s2;
	_ =	strace s9  }
0x27: {  	s1 =	sld [smem:$0x3FA0]  }
0x28: {  	s2 =	sld [smem:$0x3FA1]  }
0x29: {  	s4 =	sld [smem:$0x3FA3]  }
0x2a: {  	p0 =	seq.s32 s5, $0x0;
	s5 =	sld [smem:$0x3FA4]  }
0x2b: {  	s6 =	sld [smem:$0x3FA5]  }
0x2c: {  	s7 =	sld [smem:$0x3FA6]  }
0x2d: {  	s3 =	simm.s32 $0x108;
	s8 =	sld [smem:$0x3FA7]  }
0x2e: {  	s3 =	simm.s32 @!p0 $0x1082;
	s9 =	sld [smem:$0x3FA8]  }
0x2f: {  	lr =	sadd.s32 s0, s3;
	s0 =	sld [smem:$0x3F9F]  }
0x30: {  	s3 =	sld [smem:$0x3FA2]  }
0x31: {  	[smem:$0x3FAB] =	sst s10  }
0x32: {  	s10 =	sld [smem:$0x3FA9];
	_ =	sdelay $0x3  }
0x33: {  	p0 =	seq.s32 s10, $0x1;
	s10 =	sld [smem:$0x3FAB];
	_ =	sdelay $0x3  }
0x34: {  	[smem:$0x3FAB] =	sst s10  }
0x35: {  	s10 =	sld [smem:$0x3FAA];
	_ =	sdelay $0x3  }
0x36: {  	p1 =	seq.s32 s10, $0x1;
	s10 =	sld [smem:$0x3FAB];
	_ =	sdelay $0x3  }
0x37: {  	[smem:$0x3FAB] =	sst s10  }
0x38: {  	s10 =	sld [smem:$0x3FAC]  }
0x39: {  	_ = 	snop;
	(pc) =	sbr.ind lr, $3  }
0x3a: {  	_ = 	snop  }
0x3b: {  	_ = 	snop  }
0x3c: {  	p2 =	seq.s32 s10, $0x1;
	s10 =	sld [smem:$0x3FAB]  }
0x3d: {  	_ =	shalt  }
0x3e: {  	_ =	shalt  }
0x3f: {  	_ =	shalt  }
0x40: {  	_ =	shalt  }
0x41: {  	_ =	shalt  }
0x42: {  	_ =	shalt  }
0x43: {  	_ =	shalt  }
0x44: {  	_ =	shalt  }
0x45: {  	_ =	shalt  }
0x46: {  	_ =	shalt  }
0x47: {  	_ =	shalt  }
0x48: {  	_ =	shalt  }
0x49: {  	_ =	shalt  }
0x4a: {  	_ =	shalt  }
0x4b: {  	_ =	shalt  }
0x4c: {  	_ =	shalt  }
0x4d: {  	_ =	shalt  }
0x4e: {  	_ =	shalt  }
0x4f: {  	_ =	shalt  }
0x50: {  	_ =	shalt  }
0x51: {  	_ =	shalt  }
0x52: {  	_ =	shalt  }
0x53: {  	_ =	shalt  }
0x54: {  	_ =	shalt  }
0x55: {  	_ =	shalt  }
0x56: {  	_ =	shalt  }
0x57: {  	_ =	shalt  }
0x58: {  	_ =	shalt  }
0x59: {  	_ =	shalt  }
0x5a: {  	_ =	shalt  }
0x5b: {  	_ =	shalt  }
0x5c: {  	_ =	shalt  }
0x5d: {  	_ =	shalt  }
0x5e: {  	_ =	shalt  }
0x5f: {  	_ =	shalt  }
0x60: {  	_ =	shalt  }
0x61: {  	_ =	shalt  }
0x62: {  	_ =	shalt  }
0x63: {  	_ =	shalt  }
0x64: {  	_ =	shalt  }
0x65: {  	_ =	shalt  }
0x66: {  	_ =	shalt  }
0x67: {  	_ =	shalt  }
0x68: {  	_ =	shalt  }
0x69: {  	_ =	shalt  }
0x6a: {  	_ =	shalt  }
0x6b: {  	_ =	shalt  }
0x6c: {  	_ =	shalt  }
0x6d: {  	_ =	shalt  }
0x6e: {  	_ =	shalt  }
0x6f: {  	_ =	shalt  }
0x70: {  	_ =	shalt  }
0x71: {  	_ =	shalt  }
0x72: {  	_ =	shalt  }
0x73: {  	_ =	shalt  }
0x74: {  	_ =	shalt  }
0x75: {  	_ =	shalt  }
0x76: {  	_ =	shalt  }
0x77: {  	_ =	shalt  }
0x78: {  	_ =	shalt  }
0x79: {  	_ =	shalt  }
0x7a: {  	_ =	shalt  }
0x7b: {  	_ =	shalt  }
0x7c: {  	_ =	shalt  }
0x7d: {  	_ =	shalt  }
0x7e: {  	_ =	shalt  }
0x7f: {  	_ =	shalt  }
0x80: {  	_ =	shalt  }
0x81: {  	_ =	shalt  }
0x82: {  	_ =	shalt  }
0x83: {  	_ =	shalt  }
0x84: {  	_ =	shalt  }
0x85: {  	_ =	shalt  }
0x86: {  	_ =	shalt  }
0x87: {  	_ =	shalt  }
.Lfunc_end0:
.L_simem_size_0:
called_computation_lowered:
.L_overlay_start_0:
0x88: {  	s2 =	sld [smem:$0x3FD9]  }
0x89: {  	s3 =	sld [smem:$0x3FFE];
	_ =	sdelay $0x1  }
0x8a: {  	s1 =	srdreg.scid  }
0x8b: {  	s0 =	sand.u32 $0x1, s1  }
0x8c: {  	s16 =	sshll.u32 s0, $0xA;
	s2 =	sadd.s32 s3, s2  }
0x8d: {  	s2 =	sadd.s32 s2, s16  }
0x8e: {  	[smem:$0x3FB7] =	sst s2  }
0x8f: {  	_ = 	snop  }
0x90: {  	(tm) =	ssettm $0x1  }
0x91: {  	s17 =	sld [smem:$0x3FFB];
	_ =	sdelay $0x3  }
0x92: {  	_ =	strace s17  }
0x93: {  	s2 =	sld [smem:$0x3FFC];
	_ =	sdelay $0x3  }
0x94: {  	_ =	strace s2  }
0x95: {  	s2 =	sld [smem:$0x3FFD];
	_ =	sdelay $0x3  }
0x96: {  	_ =	strace s2  }
0x97: {  	_ =	strace $0x8FFFFFFF  }
0x98: {  	s18 =	sld [smem:$0x3FDB];
	_ =	sdelay $0x1  }
0x99: {  	s19 =	simm.s32 $_scs_section_size  }
0x9a: {  	s4 =	simm.s32 $_size__tile_overlayer_lowered;
	s5 =	simm.s32 $_tile_overlayer_lowered  }
0x9b: {  	s22 =	simm.s32 $0x1BFF;
	s21 =	sshll.u32 s5, $0x1;
	s2 =	sadd.s32 s19, s18  }
0x9c: {  	s6 =	simm.s32 $0x0;
	s20 =	sshll.u32 s4, $0x1;
	s4 =	sadd.s32 s21, s2  }
0x9d: {  	[timem:s6], [sflag:s22] =	dma.local [hbm:s4], s20  }
0x9e: {  	_ =	swait.ge [sflag:s22], s20  }
0x9f: {  	s3 =	ssub.s32 $0x0, s20;
	[sflag:s22] =	ssyncset.done $0x0  }
0xa0: {  	[sflag:s22] =	ssyncadd.s32 s3;
	_ =	sdelay $0x1  }
0xa1: {  	s23 =	simm.s32 $0x1B8B  }
0xa2: {  	_ =	swait.ge [sflag:s23], $0x1  }
0xa3: {  	[sflag:s23] =	ssyncset.done $0x0  }
0xa4: {  	s25 =	simm.s32 $0x1B8E;
	s24 =	sld [smem:$0x3FFE];
	[sflag:s23] =	ssyncadd.s32 $0xFFFFFFFF  }
0xa5: {  	s26 =	simm.s32 $execute0_lowered;
	[smem:$0x3FD2] =	sst s25  }
0xa6: {  	s4 =	sshll.u32 s26, $0x1;
	_ =	strace $0x80000046;
	[dreg:$0x1] =	wrdreg $0xFFFFFFFF  }
0xa7: {  	s28 =	simm.s32 $_size_execute0_lowered;
	s2 =	sadd.s32 s2, s4;
	[dreg:$0x0] =	wrdreg $0x0  }
0xa8: {  	s4 =	sshll.u32 s28, $0x1;
	[dreg:$0x2] =	wrdreg s2  }
0xa9: {  	[dreg:$0x3] =	wrdreg s4  }
0xaa: {  	[dreg:$0x4] =	wrdreg $0xC0  }
0xab: {  	_ =	task [dreg:s6], $0x5FFFF  }
0xac: {  	[dreg:$0x1] =	wrdreg $0xFFFFFFFF  }
0xad: {  	[dreg:$0x0] =	wrdreg $0x60  }
0xae: {  	[dreg:$0x2] =	wrdreg s24  }
0xaf: {  	[dreg:$0x3] =	wrdreg $0x9  }
0xb0: {  	_ =	task.clear_ibuf [dreg:s6], $0x4FFFF;
	_ =	strace $0x90000046  }
0xb1: {  	s29 =	simm.s32 $0x9;
	_ =	strace $0x80000048  }
0xb2: {  	_ =	swait.ge [sflag:s29], $0x1  }
0xb3: {  	[sflag:s29] =	ssyncadd.s32 $0xFFFFFFFF  }
0xb4: {  	_ =	strace $0x90000048  }
0xb5: {  	_ =	sfence  }
0xb6: {  	s30 =	sld [smem:$0x0];
	_ =	sdelay $0x2  }
0xb7: {  	s31 =	sshll.u32 s1, $0xD;
	s1 =	sshrl.u32 s1, $0x2  }
0xb8: {  	s3 =	sand.u32 $0x4000, s31;
	s1 =	sadd.s32 s1, s30  }
0xb9: {  	s0 =	sor.u32 s3, s0;
	s1 =	sshll.u32 s1, $0x11  }
0xba: {  	s0 =	sor.u32 s1, s0  }
0xbb: {  	s0 =	sadd.s32 $0x8F2B, s0  }
0xbc: {  	[sflag:s0] =	ssyncadd.remote.s32 $0x1  }
0xbd: {  	_ =	sfence.sel $0xFFFF  }
0xbe: {  	[dreg:$0x0] =	wrdreg $0xFFFFFFFF;
	(pc) =	sbr.abs _section_cstart, $3  }
0xbf: {  	[dreg:$0x1] =	wrdreg $0xFFFFFFFF  }
0xc0: {  	_ =	task.clear_ibuf [dreg:s6], $0x2FFFF;
	_ =	strace $0x9FFFFFFF  }
0xc1: {  	(tm) =	ssettm $0x7FFFFFFF  }
tec
execute0_lowered:
.L_overlay_start_1:
0x0: {  	(tag) =	ssettag $0x1  }
0x1: {  	s1 =	srdreg.scid  }
0x2: {  	s0 =	stileid.u32;
	s4 =	rddreg [dreg:$0x0];
	s2 =	simm.s32 $0x0  }
0x3: {  	s12 =	simm.s32 $0x100;
	s13 =	simm.s32 $0x8C00;
	s14 =	simm.s32 $0x180  }
0x4: {  	s15 =	simm.s32 $0xCC00;
	s16 =	simm.s32 $0x1;
	s17 =	simm.s32 $0x2  }
0x5: {  	s18 =	simm.s32 $0x0;
	s5 =	sand.u32 $0x1, s1;
	s1 =	rddreg [dreg:$0x1]  }
0x6: {  	s3 =	sshll.u32 s0, $0x1;
	[smem:$0x7FF] =	sst s2;
	s9 =	smul.u32 $0x14000, s0  }
0x7: {  	s10 =	sadd.s32 $0xF400, s4;
	s6 =	sor.u32 s5, s3;
	s11 =	smul.u32 $0xA000, s5  }
0x8: {  	_ =	strace $0x80000047;
	s8 =	ssub.s32 $0x2, s5;
	s7 =	smul.u32 $0x180, s6  }
0x9: {  	s3 =	sadd.s32 $0x5600, s4;
	s6 =	smul.u32 $0xA000, s6;
	s29 =	sshrl.u32 s8, $0x1  }
0xa: {  	s31 =	sadd.s32 s9, s10;
	s9 =	simm.s32 $0x80;
	s30 =	ssub.s32 s8, s29  }
0xb: {  	s8 =	simm.s32 $0x3;
	s7 =	sadd.s32 s7, s4;
	s5 =	smax.u32 s30, $0x1  }
0xc: {  	s6 =	sadd.s32 s10, s6;
	s4 =	sadd.s32 $0x2600, s7;
	s7 =	sadd.s32 s11, s31  }
0xd: {  	s10 =	simm.s32 $0xC00;
	s11 =	simm.s32 $0x4C00;
	s7 =	sadd.s32 $0x800, s7  }
.LBB2_1:
0xe: {  	[tilespmem:s2], [sflag:$0x3] =	stream.linear.gather [hbm4b:s4+s2], $0xA00, $0x38;
	[tilespmem:$0x10C00] =	vst v63  }
0xf: {  	_ =	swait.ge [sflag:s8], $0xA00  }
0x10: {  	[sflag:s8] =	ssyncset.done $0x0  }
0x11: {  	[sflag:s8] =	ssyncadd.s32 $0xFFFFF600  }
0x12: {  	[tilespmem:s10], [sflag:$0x1] =	stream.indirect.gather [hbm4b:s3+s9], $0x80, s2, s9, $0xb8;
	[tilespmem:$0x10C00] =	vst v63  }
0x13: {  	_ = 	snop  }
0x14: {  	[tilespmem:s11], [sflag:$0x1] =	stream.indirect.gather [hbm4b:s3+s9], $0x80, s9, s9, $0xb8;
	[tilespmem:$0x10C00] =	vst v63  }
0x15: {  	_ = 	snop  }
0x16: {  	[tilespmem:s13], [sflag:$0x1] =	stream.indirect.gather [hbm4b:s3+s9], $0x80, s12, s9, $0xb8;
	[tilespmem:$0x10C00] =	vst v63  }
0x17: {  	_ = 	snop  }
0x18: {  	[tilespmem:s15], [sflag:$0x1] =	stream.indirect.gather [hbm4b:s3+s9], $0x80, s14, s9, $0xb8;
	[tilespmem:$0x10C00] =	vst v63  }
0x19: {  	s19 =	simm.s32 $0x40000;
	_ =	swait.ge [sflag:s16], $0x4000  }
0x1a: {  	p0 =	por $0x0, $0x0;
	s21 =	simm.s32 $0x200;
	[sflag:s16] =	ssyncset.done $0x0  }
0x1b: {  	s23 =	simm.s32 $0x10000;
	s20 =	simm.s32 @!p0 $0x2;
	[sflag:s16] =	ssyncadd.s32 $0xFFFFC000  }
0x1c: {  	[hbm4b:s6+s2] =	stream.linear.scatter [tilespmem:s10], [sflag:$0x2], $0x4000, $0x38;
	[tilespmem:$0x10C00] =	vst v63  }
0x1d: {  	s19 =	sand.u32 @!p0 $0x30000, s19;
	s30 =	sand.u32 $0x30000, s23;
	_ =	swait.ge @!p0 [sflag:s20], $0x4000  }
0x1e: {  	s23 =	smov.u32 s7;
	s22 =	sshrl.u32 @!p0 s19, $0x2;
	[sflag:s20] =	ssyncset.done @!p0 $0x0  }
0x1f: {  	s22 =	sor.u32 @!p0 $0xC00, s22;
	[sflag:s20] =	ssyncadd.s32 @!p0 $0xFFFFC000;
	s20 =	simm.s32 @!p0 $0x80  }
0x20: {  	[tilespmem:s22], [sflag:$0x1] =	stream.indirect.gather @!p0 [hbm4b:s3+s20], $0x80, s21, s20, $0xb8;
	[tilespmem:$0x10C00] =	vst v63  }
0x21: {  	s19 =	simm.s32 $0x2;
	s31 =	sshrl.u32 s30, $0x2;
	_ =	swait.ge [sflag:s16], $0x4000  }
0x22: {  	s24 =	sor.u32 $0xC00, s31;
	s20 =	simm.s32 $0x280;
	[sflag:s16] =	ssyncset.done $0x0  }
0x23: {  	s21 =	simm.s32 $0x50000;
	s22 =	sadd.s32 $0x800, s7;
	[sflag:s16] =	ssyncadd.s32 $0xFFFFC000  }
.LBB2_2:
0x24: {  	[hbm4b:s23+s2] =	stream.linear.scatter [tilespmem:s24], [sflag:$0x2], $0x4000, $0x38;
	[tilespmem:$0x10C00] =	vst v63  }
0x25: {  	p1 =	sgt.u32 s19, $0x10;
	s19 =	sadd.s32 $0x1, s19;
	s23 =	smov.u32 s22  }
0x26: {  	s24 =	simm.s32 @!p1 $0x2;
	s25 =	sand.u32 @!p1 $0x30000, s21;
	p0 =	sne.s32 s19, $0x14  }
0x27: {  	s25 =	sshrl.u32 @!p1 s25, $0x2;
	_ =	swait.ge @!p1 [sflag:s24], $0x4000  }
0x28: {  	s26 =	sadd.s32 $0xFFFD0000, s21;
	s25 =	sor.u32 @!p1 $0xC00, s25;
	[sflag:s24] =	ssyncset.done @!p1 $0x0  }
.Ltmp0:
0x29: {  	[sflag:s24] =	ssyncadd.s32 @!p1 $0xFFFFC000;
	s24 =	simm.s32 @!p1 $0x80;
	(pc) =	sbr.rel @p0 .LBB2_2-.Ltmp0, $4  }
0x2a: {  	[tilespmem:s25], [sflag:$0x1] =	stream.indirect.gather @!p1 [hbm4b:s3+s24], $0x80, s20, s24, $0xb8;
	[tilespmem:$0x10C00] =	vst v63  }
0x2b: {  	s24 =	sand.u32 $0x30000, s26;
	s20 =	sadd.s32 $0x80, s20;
	_ =	swait.ge [sflag:s16], $0x4000  }
0x2c: {  	s21 =	sadd.s32 $0x10000, s21;
	s24 =	sshrl.u32 s24, $0x2;
	[sflag:s16] =	ssyncset.done $0x0  }
0x2d: {  	s22 =	sadd.s32 $0x800, s22;
	s24 =	sor.u32 $0xC00, s24;
	[sflag:s16] =	ssyncadd.s32 $0xFFFFC000  }
0x2e: {  	[hbm4b:s23+s2] =	stream.linear.scatter [tilespmem:s24], [sflag:$0x2], $0x4000, $0x38;
	[tilespmem:$0x10C00] =	vst v63  }
0x2f: {  	_ =	swait.ge [sflag:s17], $0x4000  }
0x30: {  	[sflag:s17] =	ssyncset.done $0x0  }
0x31: {  	[sflag:s17] =	ssyncadd.s32 $0xFFFFC000  }
0x32: {  	_ =	swait.ge [sflag:s17], $0x4000  }
0x33: {  	[sflag:s17] =	ssyncset.done $0x0  }
0x34: {  	s18 =	sadd.s32 $0x1, s18;
	[sflag:s17] =	ssyncadd.s32 $0xFFFFC000  }
0x35: {  	p0 =	sne.s32 s18, s5;
	_ =	swait.ge [sflag:s17], $0x4000  }
.Ltmp1:
0x36: {  	[sflag:s17] =	ssyncset.done $0x0;
	(pc) =	sbr.rel @p0 .LBB2_1-.Ltmp1, $4  }
0x37: {  	[sflag:s17] =	ssyncadd.s32 $0xFFFFC000  }
0x38: {  	_ =	swait.ge [sflag:s17], $0x4000  }
0x39: {  	[sflag:s17] =	ssyncset.done $0x0  }
0x3a: {  	[sflag:s17] =	ssyncadd.s32 $0xFFFFC000  }
0x3b: {  	_ =	sfence.sel $0x180000  }
0x3c: {  	[bflag:$0x0] =	sbarrier.arrive $0xFFFF  }
0x3d: {  	p0 =	sne.s32 s0, $0x0;
	_ =	strace $0x90000047  }
0x3e: {  	s0 =	sadd.s32 @!p0 $0x100000, s1;
	[bflag:$0x2] =	sbarrier.arrive $0xFFFF  }
0x3f: {  	[sflag:s0] =	ssyncadd.tile.s32 @!p0 $0x1;
	_ =	shalt  }
.Lfunc_end2:
_tile_overlayer_lowered:
.L_overlay_start_2:
0x40: {  	(tag) =	ssettag $0x2  }
0x41: {  	s0 =	rddreg [dreg:$0x0];
	s2 =	stileid.u32  }
0x42: {  	s1 =	rddreg [dreg:$0x1];
	p0 =	sne.s32 s2, $0x0  }
0x43: {  	s3 =	rddreg [dreg:$0x2];
	[bflag:$0x3] =	sbarrier.arrive $0xFFFF;
	s2 =	simm.s32 @!p0 $0x1C03  }
0x44: {  	[timem:s3], [sflag:s2] =	dma.local @!p0 [hbm:s0], s1  }
0x45: {  	s0 =	simm.s32 @!p0 $0x3  }
0x46: {  	_ =	swait.ge @!p0 [sflag:s0], s1  }
0x47: {  	s1 =	ssub.s32 @!p0 $0x0, s1;
	[sflag:s0] =	ssyncset.done @!p0 $0x0  }
0x48: {  	[sflag:s0] =	ssyncadd.s32 @!p0 s1  }
0x49: {  	[bflag:$0x3] =	sbarrier.arrive $0xFFFF  }
0x4a: {  	_ =	shalt  }

</sc_bundles>
